<compile_context>
chip_gen: v7x
topology: tpu7x:2x2x1
jax: 0.10.2.dev20260603
libtpu: 0.0.44.dev20260713+nightly
codegen_flags: <defaults>
</compile_context>

<pallas_src>
import functools

import jax
import jax.numpy as jnp
from jax import lax
from jax.experimental import pallas as pl
from jax.experimental.pallas import tpu as pltpu
from jax.experimental.pallas import tpu_sc as plsc

_DELTA = 10.0
_LEAK = 0.01
_NC = 2
_NS = 16
_NW = _NC * _NS
_CHUNK = 128


def _sc_gather(table, idx3, kk, n):
    nw, ch, lch = idx3.shape
    epw = ch * lch
    c = table.shape[1]
    wpk = n // epw
    grp = 8
    mesh = plsc.VectorSubcoreMesh(core_axis_name="c", subcore_axis_name="s")

    @functools.partial(
        pl.kernel,
        out_type=jax.ShapeDtypeStruct((kk, c, n), jnp.float32),
        mesh=mesh,
        scratch_types=[
            pltpu.VMEM((ch, lch), jnp.int32),
            pltpu.VMEM((grp * lch, c), jnp.float32),
            pltpu.VMEM((c, epw), jnp.float32),
            pltpu.SemaphoreType.DMA,
        ],
        compiler_params=pltpu.CompilerParams(use_tc_tiling_on_sc=False,
                                             needs_layout_passes=False),
    )
    def body(table_hbm, idx_hbm, out_hbm, idx_v, rows_v, trans_v, sem):
        wid = lax.axis_index("s") * _NC + lax.axis_index("c")
        k0 = wid // wpk
        n0 = (wid % wpk) * epw
        pltpu.sync_copy(idx_hbm.at[wid], idx_v)
        lanes = lax.iota(jnp.int32, 16)

        def group(g, carry):
            handles = []
            for j in range(grp):
                cidx = g * grp + j
                handles.append(
                    pltpu.async_copy(
                        table_hbm.at[idx_v.at[cidx]],
                        rows_v.at[pl.ds(j * lch, lch)],
                        sem,
                    )
                )
            for hnd in handles:
                hnd.wait()
            base = g * (grp * lch)

            def pix(p8, carry2):
                for q in range(8):
                    p = p8 * 8 + q
                    plsc.store_scatter(
                        trans_v,
                        [lanes, jnp.full((16,), base + p, jnp.int32)],
                        rows_v[p],
                    )
                return carry2

            lax.fori_loop(0, (grp * lch) // 8, pix, 0)
            return carry

        lax.fori_loop(0, ch // grp, group, 0)
        pltpu.sync_copy(trans_v, out_hbm.at[k0, :, pl.ds(n0, epw)])

    return body(table, idx3)


def _tc_call(vertex4, center3, hpad, comb0_w, combt_w, s_t, s2_t, wc_t,
             b0c, bkc, biasc, *, kk, nb, t, c, cout, rank, rows,
             interpret=False):
    rc = rank * c

    def body(v_ref, c_ref, hs_ref, c0_ref, ct_ref, s_ref, s2_ref,
             wc_ref, b0_ref, bk_ref, bias_ref, o_ref):
        bf = jnp.bfloat16
        f32 = jnp.float32
        mm = lambda x, y: jnp.dot(x, y, preferred_element_type=f32)
        ctr = c_ref[...]
        ctrb = ctr.astype(bf)
        c0w = c0_ref[...].astype(bf)
        ctw = ct_ref[...].astype(bf)
        s_w = s_ref[...].astype(bf)
        s2w = s2_ref[...].astype(bf)
        b0_ = b0_ref[...]
        bk_ = bk_ref[...]
        ctr_pre = mm(c0w[:c], ctrb)
        acc = jnp.zeros((cout, t), f32)
        for k in range(kk):
            vt = v_ref[k]
            vtb = vt.astype(bf)
            comb0 = mm(c0w, vtb)
            pre = comb0[:c] - ctr_pre + b0_
            g = comb0[c:].astype(bf)
            lab = vt - ctr
            theta = jnp.where(pre >= 0, pre, _LEAK * pre).astype(bf)
            combt = mm(ctw, theta)
            a_ = combt[:rc].astype(bf)
            kap = combt[rc:] + bk_
            th_e = jnp.repeat(theta, rank, axis=0)
            tmp = mm(s_w, th_e * g)
            ssq = jnp.sum(lab * lab, axis=0, keepdims=True)
            gam = jnp.exp(ssq * (-1.0 / _DELTA))
            sv = (kap * tmp * gam).astype(bf)
            s_e = jnp.tile(sv, (cout, 1))
            acc = acc + mm(s2w, a_ * s_e)
        ib = pl.program_id(0)
        wcw = wc_ref[...].astype(bf)
        wimg = t // rows
        hpb = hs_ref[:, pl.ds(ib * rows, rows + 2), :]
        rowouts = []
        for rr in range(rows):
            parts = [hpb[:, rr + dy, dx:dx + wimg]
                     for dy in range(3) for dx in range(3)]
            hcat_r = jnp.concatenate(parts, axis=0)
            rowouts.append(mm(wcw, hcat_r.astype(bf)))
        h_l = jnp.concatenate(rowouts, axis=1)
        o_ref[...] = acc + h_l + bias_ref[...]

    full = lambda a: pl.BlockSpec(a.shape, lambda i: (0,) * a.ndim)
    n_all = nb * t
    return pl.pallas_call(
        body,
        grid=(nb,),
        in_specs=[
            pl.BlockSpec((kk, c, t), lambda i: (0, 0, i)),
            pl.BlockSpec((c, t), lambda i: (0, i)),
            pl.BlockSpec(hpad.shape, lambda i: (0, 0, 0)),
            full(comb0_w), full(combt_w), full(s_t), full(s2_t),
            full(wc_t), full(b0c), full(bkc), full(biasc),
        ],
        out_specs=pl.BlockSpec((cout, t), lambda i: (0, i)),
        out_shape=jax.ShapeDtypeStruct((cout, n_all), jnp.float32),
        interpret=interpret,
    )(vertex4, center3, hpad, comb0_w, combt_w, s_t, s2_t, wc_t,
      b0c, bkc, biasc)


def _weights(W0, b0, wL, wR, Wk, bk, Wc, bias, c, cout, rank):
    m = (rank * cout) // wL.shape[0]
    cols = jnp.arange(rank * c)

    def circfull(w):
        wm = w[:, 0, :]
        rolls = jnp.stack([jnp.roll(wm, tt, axis=1) for tt in range(m)],
                          axis=1)
        return rolls.reshape(rank * c, c).T

    wlf = circfull(wL)
    wrf = circfull(wR)
    wrp = wrf.reshape(c, c, rank).transpose(1, 0, 2).reshape(c, c * rank)
    s_red = (cols[:, None] % rank == jnp.arange(rank)[None, :]).astype(jnp.float32)
    s2 = (cols[:, None] // rank == jnp.arange(cout)[None, :]).astype(jnp.float32)
    wc2 = Wc.transpose(2, 3, 1, 0).reshape(9 * c, cout)
    comb0_w = jnp.concatenate([W0, wrp.T], axis=0)
    combt_w = jnp.concatenate([wlf.T, Wk], axis=0)
    return (comb0_w, combt_w, s_red.T, s2.T, wc2.T,
            b0.reshape(c, 1), bk.reshape(rank, 1), bias.reshape(cout, 1))


def kernel(h, edge, W0, b0, wL, wR, Wk, bk, Wc, bias):
    b, c, himg, wimg = h.shape
    kk = edge.shape[1]
    n = himg * wimg
    cout = Wc.shape[0]
    rank = Wk.shape[0]
    e_tot = kk * n

    h_cm = h.reshape(c, n)
    table = h_cm.T
    epw = e_tot // _NW
    idx3 = edge.reshape(_NW, epw // _CHUNK, _CHUNK)
    vertex = _sc_gather(table, idx3, kk, n)

    rows = 16
    t = rows * wimg
    nb = n // t
    hp = jnp.pad(h[0], ((0, 0), (1, 1), (1, 1)), mode="reflect")

    ws = list(_weights(W0, b0, wL, wR, Wk, bk, Wc, bias, c, cout, rank))
    ws[3] = ws[3] * (0.5 / kk)
    ws[4] = ws[4] * 0.5
    out_cm = _tc_call(vertex, h_cm, hp, *ws, kk=kk, nb=nb, t=t, c=c,
                      cout=cout, rank=rank, rows=rows)
    return out_cm.reshape(b, cout, himg, wimg)

# --- scband reference (transcript-rebuilt; emitter-appended) ---
"""Pipeline reference for scband-dgcn-37271726195346 (READ-ONLY COPY).

The authoritative reference and input builder live on the scoring server;
editing this copy changes nothing except your own understanding.
"""

import jax, jax.numpy as jnp
import numpy as np

RANK = 12
DELTA = 10.0
LEAK = 0.01
M = 3
CIN = 16
COUT = 16


def circdense(x, w, m=M):
    # x: (B0, Cin); w: (Cout//m, 1, Cin). Circular pad + conv1d, view(-1, Cout).
    Cin = w.shape[2]
    xpad = jnp.concatenate([x, x[:, : m - 1]], axis=1)  # circular pad right by m-1
    wm = w[:, 0, :]  # (Cout//m, Cin)
    outs = [xpad[:, t : t + Cin] @ wm.T for t in range(m)]  # each (B0, Cout//m)
    out = jnp.stack(outs, axis=-1)  # (B0, Cout//m, m) == conv1d output
    return out.reshape(x.shape[0], -1)  # row-major view -> (B0, Cout)


def setup_inputs(seed: int = 0) -> dict:
    key = jax.random.key(seed)
    ks = jax.random.split(key, 10)
    B, C, H, W, K = 1, CIN, 128, 128, 8
    N = H * W
    return {
        "h": jax.random.normal(ks[0], (B, C, H, W), dtype=jnp.float32),
        "edge": jax.random.randint(ks[1], (B, K, H, W), 0, N, dtype=jnp.int32),
        "W0": jax.random.normal(ks[2], (CIN, CIN), dtype=jnp.float32) * 0.1,
        "b0": jnp.zeros((CIN,), dtype=jnp.float32),
        "wL": jax.random.normal(ks[3], (RANK * COUT // M, 1, CIN), dtype=jnp.float32) * 0.1,
        "wR": jax.random.normal(ks[4], (RANK * CIN // M, 1, CIN), dtype=jnp.float32) * 0.1,
        "Wk": jax.random.normal(ks[5], (RANK, CIN), dtype=jnp.float32) * 0.1,
        "bk": jnp.zeros((RANK,), dtype=jnp.float32),
        "Wc": jax.random.normal(ks[6], (COUT, CIN, 3, 3), dtype=jnp.float32) * 0.1,
        "bias": jnp.zeros((1, COUT, 1, 1), dtype=jnp.float32),
    }


def reference(h, edge, W0, b0, wL, wR, Wk, bk, Wc, bias):
    B, C, H, W = h.shape
    K = edge.shape[1]
    N = H * W
    Cout = Wc.shape[0]
    rank = Wk.shape[0]
    # knn.getLabelVertex: vertex = gathered neighbor features, label = neighbor - center
    hflat = jnp.transpose(h.reshape(B, C, N), (0, 2, 1))  # (B, N, C)
    e = edge.reshape(B, K, N)
    bidx = jnp.arange(B)[:, None, None]
    vertex = hflat[bidx, e]  # (B, K, N, C) gather
    label = vertex - hflat[:, None, :, :]  # (B, K, N, C)
    lt = label.reshape(-1, C)
    vt = vertex.reshape(-1, C)
    B0 = lt.shape[0]
    pre = lt @ W0.T + b0
    theta = jnp.where(pre >= 0, pre, LEAK * pre)  # LeakyReLU
    thetaL = circdense(theta, wL).reshape(B0, Cout, rank)
    thetaR = circdense(theta, wR).reshape(B0, C, rank)
    kappa = theta @ Wk.T + bk  # (B0, rank)
    tmp = jnp.matmul(jnp.transpose(thetaR, (0, 2, 1)), vt[:, :, None])  # (B0, rank, 1)
    out = jnp.matmul(thetaL, kappa[:, :, None] * tmp)  # (B0, Cout, 1)
    gamma = jnp.exp(-jnp.sum(lt ** 2, axis=1, keepdims=True) / DELTA)[:, :, None]
    out = (gamma * out).reshape(B, K, N, Cout).mean(axis=1)  # (B, N, Cout)
    hNL = jnp.transpose(out, (0, 2, 1)).reshape(B, Cout, H, W)
    # local conv branch: reflect padding, no conv bias
    hp = jnp.pad(h, ((0, 0), (0, 0), (1, 1), (1, 1)), mode='reflect')
    hL = jax.lax.conv_general_dilated(hp, Wc, (1, 1), 'VALID',
                                      dimension_numbers=('NCHW', 'OIHW', 'NCHW'))
    return (hNL + hL) / 2.0 + bias

if __name__ == "__main__":
    import jax
    _d = setup_inputs()
    print(jax.jit(kernel)(*tuple(_d.values())))

</pallas_src>

<mosaic_0001>
#map = affine_map<(d0, d1) -> (0, 0)>
#map1 = affine_map<(d0, d1) -> (0, 0, 0)>
module attributes {stable_mosaic.version = 14 : i64} {
  func.func @body(%arg0: i32, %arg1: i32, %arg2: memref<16384x16xf32, #tpu.memory_space<hbm>>, %arg3: memref<32x32x128xi32, #tpu.memory_space<hbm>>, %arg4: memref<8x16x16384xf32, #tpu.memory_space<hbm>>, %arg5: memref<32x128xi32, #tpu.memory_space<vmem>>, %arg6: memref<1024x16xf32, #tpu.memory_space<vmem>>, %arg7: memref<16x4096xf32, #tpu.memory_space<vmem>>, %arg8: memref<!tpu.dma_semaphore, #tpu.memory_space<semaphore_mem>>) attributes {dimension_semantics = [#tpu.dimension_semantics<core_parallel>, #tpu.dimension_semantics<subcore_parallel>], iteration_bounds = array<i64: 2, 16>, scalar_prefetch = 0 : i64, scratch_operands = 4 : i64, tpu.core_type = #tpu.core_type<sc_vector_subcore>, window_params = [{transform_indices = #map}, {transform_indices = #map1}, {transform_indices = #map1}]} {
    %mul3A = arith.constant 2 : i32
    %mul3A_0 = arith.muli %arg1, %mul3A : i32
    %add3A = arith.addi %mul3A_0, %arg0 : i32
    %jit3A = arith.constant 4 : i32
    %div3A = arith.divsi %add3A, %jit3A : i32
    %sign3A = arith.constant 0 : i32
    %sign3A_1 = arith.cmpi sgt, %add3A, %sign3A : i32
    %sign3A_2 = arith.extui %sign3A_1 : i1 to i32
    %sign3A_3 = arith.constant 0 : i32
    %sign3A_4 = arith.cmpi slt, %add3A, %sign3A_3 : i32
    %sign3A_5 = arith.extui %sign3A_4 : i1 to i32
    %sign3A_6 = arith.subi %sign3A_2, %sign3A_5 : i32
    %sign3A_7 = arith.constant 0 : i32
    %sign3A_8 = arith.cmpi sgt, %jit3A, %sign3A_7 : i32
    %sign3A_9 = arith.extui %sign3A_8 : i1 to i32
    %sign3A_10 = arith.constant 0 : i32
    %sign3A_11 = arith.cmpi slt, %jit3A, %sign3A_10 : i32
    %sign3A_12 = arith.extui %sign3A_11 : i1 to i32
    %sign3A_13 = arith.subi %sign3A_9, %sign3A_12 : i32
    %ne3A = arith.cmpi ne, %sign3A_6, %sign3A_13 : i32
    %rem3A = arith.remsi %add3A, %jit3A : i32
    %ne3A_14 = arith.constant 0 : i32
    %ne3A_15 = arith.cmpi ne, %rem3A, %ne3A_14 : i32
    %and3A = arith.andi %ne3A, %ne3A_15 : i1
    %sub3A = arith.constant 1 : i32
    %sub3A_16 = arith.subi %div3A, %sub3A : i32
    %select_n3A = arith.select %and3A, %sub3A_16, %div3A : i32
    %jit3A_17 = arith.constant 4 : i32
    %eq3A = arith.constant 0 : i32
    %eq3A_18 = arith.cmpi eq, %jit3A_17, %eq3A : i32
    %jit3A_19 = arith.constant 1 : i32
    %select_n3A_20 = arith.select %eq3A_18, %jit3A_19, %jit3A_17 : i32
    %rem3A_21 = arith.remsi %add3A, %select_n3A_20 : i32
    %ne3A_22 = arith.constant 0 : i32
    %ne3A_23 = arith.cmpi ne, %rem3A_21, %ne3A_22 : i32
    %lt3A = arith.constant 0 : i32
    %lt3A_24 = arith.cmpi slt, %rem3A_21, %lt3A : i32
    %lt3A_25 = arith.constant 0 : i32
    %lt3A_26 = arith.cmpi slt, %select_n3A_20, %lt3A_25 : i32
    %ne3A_27 = arith.xori %lt3A_24, %lt3A_26 : i1
    %and3A_28 = arith.andi %ne3A_27, %ne3A_23 : i1
    %add3A_29 = arith.addi %rem3A_21, %select_n3A_20 : i32
    %select_n3A_30 = arith.select %and3A_28, %add3A_29, %rem3A_21 : i32
    %mul3A_31 = arith.constant 4096 : i32
    %mul3A_32 = arith.muli %select_n3A_30, %mul3A_31 : i32
    "tpu.region"() ({
      %run_scoped3A = tpu.sem_alloc : memref<!tpu.dma_semaphore, #tpu.memory_space<semaphore_mem>>
      %dma_start3A = arith.constant 0 : i32
      %dma_start3A_38 = arith.constant 0 : i32
      %dma_start3A_39 = tpu.memref_slice %arg3[%add3A, %dma_start3A, %dma_start3A_38] : memref<32x32x128xi32, #tpu.memory_space<hbm>> -> memref<1x32x128xi32, #tpu.memory_space<hbm>>
      %dma_start3A_40 = tpu.memref_squeeze %dma_start3A_39 : memref<1x32x128xi32, #tpu.memory_space<hbm>> -> memref<32x128xi32, #tpu.memory_space<hbm>>
      %dma_start3A_41 = arith.constant 0 : i32
      %dma_start3A_42 = arith.constant 0 : i32
      %dma_start3A_43 = tpu.memref_slice %arg3[%add3A, %dma_start3A_41, %dma_start3A_42] : memref<32x32x128xi32, #tpu.memory_space<hbm>> -> memref<1x32x128xi32, #tpu.memory_space<hbm>>
      %dma_start3A_44 = tpu.memref_squeeze %dma_start3A_43 : memref<1x32x128xi32, #tpu.memory_space<hbm>> -> memref<32x128xi32, #tpu.memory_space<hbm>>
      tpu.enqueue_dma source(%dma_start3A_44 : memref<32x128xi32, #tpu.memory_space<hbm>>) target(%arg5 : memref<32x128xi32, #tpu.memory_space<vmem>>) target_semaphore(%run_scoped3A : memref<!tpu.dma_semaphore, #tpu.memory_space<semaphore_mem>>)
      %dma_wait3A = arith.constant 0 : i32
      %dma_wait3A_45 = arith.constant 0 : i32
      %dma_wait3A_46 = tpu.memref_slice %arg3[%add3A, %dma_wait3A, %dma_wait3A_45] : memref<32x32x128xi32, #tpu.memory_space<hbm>> -> memref<1x32x128xi32, #tpu.memory_space<hbm>>
      %dma_wait3A_47 = tpu.memref_squeeze %dma_wait3A_46 : memref<1x32x128xi32, #tpu.memory_space<hbm>> -> memref<32x128xi32, #tpu.memory_space<hbm>>
      %dma_wait3A_48 = arith.constant 0 : i32
      %dma_wait3A_49 = arith.constant 0 : i32
      %dma_wait3A_50 = tpu.memref_slice %arg3[%add3A, %dma_wait3A_48, %dma_wait3A_49] : memref<32x32x128xi32, #tpu.memory_space<hbm>> -> memref<1x32x128xi32, #tpu.memory_space<hbm>>
      %dma_wait3A_51 = tpu.memref_squeeze %dma_wait3A_50 : memref<1x32x128xi32, #tpu.memory_space<hbm>> -> memref<32x128xi32, #tpu.memory_space<hbm>>
      tpu.wait_dma2 semaphore(%run_scoped3A : memref<!tpu.dma_semaphore, #tpu.memory_space<semaphore_mem>>) src(%dma_wait3A_51 : memref<32x128xi32, #tpu.memory_space<hbm>>) dst(%arg5 : memref<32x128xi32, #tpu.memory_space<vmem>>)
      tpu.yield
    }) : () -> ()
    %iota3A = tpu.iota {dimensions = array<i32: 0>} : vector<16xi32>
    %scan3A = arith.constant 0 : i32
    %scan3A_33 = arith.constant 0 : i32
    %scan3A_34 = arith.constant 4 : i32
    %scan3A_35 = arith.addi %scan3A_33, %scan3A_34 : i32
    %scan3A_36 = arith.constant 1 : i32
    scf.for %scan3A_38 = %scan3A_33 to %scan3A_35 step %scan3A_36  : i32 {
      %mul3A_39 = arith.constant 8 : i32
      %mul3A_40 = arith.muli %scan3A_38, %mul3A_39 : i32
      %add3A_41 = arith.constant 0 : i32
      %add3A_42 = arith.addi %mul3A_40, %add3A_41 : i32
      %dma_start3A = arith.constant 0 : i32
      %dma_start3A_43 = arith.constant 0 : i32
      %dma_start3A_44 = tpu.memref_slice %arg6[%dma_start3A, %dma_start3A_43] : memref<1024x16xf32, #tpu.memory_space<vmem>> -> memref<128x16xf32, #tpu.memory_space<vmem>>
      %dma_start3A_45 = arith.constant 0 : i32
      %dma_start3A_46 = tpu.memref_slice %arg5[%add3A_42, %dma_start3A_45] : memref<32x128xi32, #tpu.memory_space<vmem>> -> memref<1x128xi32, #tpu.memory_space<vmem>>
      %dma_start3A_47 = tpu.memref_squeeze %dma_start3A_46 : memref<1x128xi32, #tpu.memory_space<vmem>> -> memref<128xi32, #tpu.memory_space<vmem>>
      %dma_start3A_48 = arith.constant 0 : i32
      %dma_start3A_49 = arith.constant 0 : i32
      %dma_start3A_50 = tpu.memref_slice %arg2[%dma_start3A_48, %dma_start3A_49] : memref<16384x16xf32, #tpu.memory_space<hbm>> -> memref<16384x16xf32, #tpu.memory_space<hbm>>
      tpu.enqueue_indirect_dma source(%dma_start3A_50 : memref<16384x16xf32, #tpu.memory_space<hbm>>) target(%dma_start3A_44 : memref<128x16xf32, #tpu.memory_space<vmem>>) offsets(%dma_start3A_47 : memref<128xi32, #tpu.memory_space<vmem>>) semaphore(%arg8 : memref<!tpu.dma_semaphore, #tpu.memory_space<semaphore_mem>>)
      %mul3A_51 = arith.constant 8 : i32
      %mul3A_52 = arith.muli %scan3A_38, %mul3A_51 : i32
      %add3A_53 = arith.constant 1 : i32
      %add3A_54 = arith.addi %mul3A_52, %add3A_53 : i32
      %dma_start3A_55 = arith.constant 128 : i32
      %dma_start3A_56 = arith.constant 0 : i32
      %dma_start3A_57 = tpu.memref_slice %arg6[%dma_start3A_55, %dma_start3A_56] : memref<1024x16xf32, #tpu.memory_space<vmem>> -> memref<128x16xf32, #tpu.memory_space<vmem>>
      %dma_start3A_58 = arith.constant 0 : i32
      %dma_start3A_59 = tpu.memref_slice %arg5[%add3A_54, %dma_start3A_58] : memref<32x128xi32, #tpu.memory_space<vmem>> -> memref<1x128xi32, #tpu.memory_space<vmem>>
      %dma_start3A_60 = tpu.memref_squeeze %dma_start3A_59 : memref<1x128xi32, #tpu.memory_space<vmem>> -> memref<128xi32, #tpu.memory_space<vmem>>
      %dma_start3A_61 = arith.constant 0 : i32
      %dma_start3A_62 = arith.constant 0 : i32
      %dma_start3A_63 = tpu.memref_slice %arg2[%dma_start3A_61, %dma_start3A_62] : memref<16384x16xf32, #tpu.memory_space<hbm>> -> memref<16384x16xf32, #tpu.memory_space<hbm>>
      tpu.enqueue_indirect_dma source(%dma_start3A_63 : memref<16384x16xf32, #tpu.memory_space<hbm>>) target(%dma_start3A_57 : memref<128x16xf32, #tpu.memory_space<vmem>>) offsets(%dma_start3A_60 : memref<128xi32, #tpu.memory_space<vmem>>) semaphore(%arg8 : memref<!tpu.dma_semaphore, #tpu.memory_space<semaphore_mem>>)
      %mul3A_64 = arith.constant 8 : i32
      %mul3A_65 = arith.muli %scan3A_38, %mul3A_64 : i32
      %add3A_66 = arith.constant 2 : i32
      %add3A_67 = arith.addi %mul3A_65, %add3A_66 : i32
      %dma_start3A_68 = arith.constant 256 : i32
      %dma_start3A_69 = arith.constant 0 : i32
      %dma_start3A_70 = tpu.memref_slice %arg6[%dma_start3A_68, %dma_start3A_69] : memref<1024x16xf32, #tpu.memory_space<vmem>> -> memref<128x16xf32, #tpu.memory_space<vmem>>
      %dma_start3A_71 = arith.constant 0 : i32
      %dma_start3A_72 = tpu.memref_slice %arg5[%add3A_67, %dma_start3A_71] : memref<32x128xi32, #tpu.memory_space<vmem>> -> memref<1x128xi32, #tpu.memory_space<vmem>>
      %dma_start3A_73 = tpu.memref_squeeze %dma_start3A_72 : memref<1x128xi32, #tpu.memory_space<vmem>> -> memref<128xi32, #tpu.memory_space<vmem>>
      %dma_start3A_74 = arith.constant 0 : i32
      %dma_start3A_75 = arith.constant 0 : i32
      %dma_start3A_76 = tpu.memref_slice %arg2[%dma_start3A_74, %dma_start3A_75] : memref<16384x16xf32, #tpu.memory_space<hbm>> -> memref<16384x16xf32, #tpu.memory_space<hbm>>
      tpu.enqueue_indirect_dma source(%dma_start3A_76 : memref<16384x16xf32, #tpu.memory_space<hbm>>) target(%dma_start3A_70 : memref<128x16xf32, #tpu.memory_space<vmem>>) offsets(%dma_start3A_73 : memref<128xi32, #tpu.memory_space<vmem>>) semaphore(%arg8 : memref<!tpu.dma_semaphore, #tpu.memory_space<semaphore_mem>>)
      %mul3A_77 = arith.constant 8 : i32
      %mul3A_78 = arith.muli %scan3A_38, %mul3A_77 : i32
      %add3A_79 = arith.constant 3 : i32
      %add3A_80 = arith.addi %mul3A_78, %add3A_79 : i32
      %dma_start3A_81 = arith.constant 384 : i32
      %dma_start3A_82 = arith.constant 0 : i32
      %dma_start3A_83 = tpu.memref_slice %arg6[%dma_start3A_81, %dma_start3A_82] : memref<1024x16xf32, #tpu.memory_space<vmem>> -> memref<128x16xf32, #tpu.memory_space<vmem>>
      %dma_start3A_84 = arith.constant 0 : i32
      %dma_start3A_85 = tpu.memref_slice %arg5[%add3A_80, %dma_start3A_84] : memref<32x128xi32, #tpu.memory_space<vmem>> -> memref<1x128xi32, #tpu.memory_space<vmem>>
      %dma_start3A_86 = tpu.memref_squeeze %dma_start3A_85 : memref<1x128xi32, #tpu.memory_space<vmem>> -> memref<128xi32, #tpu.memory_space<vmem>>
      %dma_start3A_87 = arith.constant 0 : i32
      %dma_start3A_88 = arith.constant 0 : i32
      %dma_start3A_89 = tpu.memref_slice %arg2[%dma_start3A_87, %dma_start3A_88] : memref<16384x16xf32, #tpu.memory_space<hbm>> -> memref<16384x16xf32, #tpu.memory_space<hbm>>
      tpu.enqueue_indirect_dma source(%dma_start3A_89 : memref<16384x16xf32, #tpu.memory_space<hbm>>) target(%dma_start3A_83 : memref<128x16xf32, #tpu.memory_space<vmem>>) offsets(%dma_start3A_86 : memref<128xi32, #tpu.memory_space<vmem>>) semaphore(%arg8 : memref<!tpu.dma_semaphore, #tpu.memory_space<semaphore_mem>>)
      %mul3A_90 = arith.constant 8 : i32
      %mul3A_91 = arith.muli %scan3A_38, %mul3A_90 : i32
      %add3A_92 = arith.constant 4 : i32
      %add3A_93 = arith.addi %mul3A_91, %add3A_92 : i32
      %dma_start3A_94 = arith.constant 512 : i32
      %dma_start3A_95 = arith.constant 0 : i32
      %dma_start3A_96 = tpu.memref_slice %arg6[%dma_start3A_94, %dma_start3A_95] : memref<1024x16xf32, #tpu.memory_space<vmem>> -> memref<128x16xf32, #tpu.memory_space<vmem>>
      %dma_start3A_97 = arith.constant 0 : i32
      %dma_start3A_98 = tpu.memref_slice %arg5[%add3A_93, %dma_start3A_97] : memref<32x128xi32, #tpu.memory_space<vmem>> -> memref<1x128xi32, #tpu.memory_space<vmem>>
      %dma_start3A_99 = tpu.memref_squeeze %dma_start3A_98 : memref<1x128xi32, #tpu.memory_space<vmem>> -> memref<128xi32, #tpu.memory_space<vmem>>
      %dma_start3A_100 = arith.constant 0 : i32
      %dma_start3A_101 = arith.constant 0 : i32
      %dma_start3A_102 = tpu.memref_slice %arg2[%dma_start3A_100, %dma_start3A_101] : memref<16384x16xf32, #tpu.memory_space<hbm>> -> memref<16384x16xf32, #tpu.memory_space<hbm>>
      tpu.enqueue_indirect_dma source(%dma_start3A_102 : memref<16384x16xf32, #tpu.memory_space<hbm>>) target(%dma_start3A_96 : memref<128x16xf32, #tpu.memory_space<vmem>>) offsets(%dma_start3A_99 : memref<128xi32, #tpu.memory_space<vmem>>) semaphore(%arg8 : memref<!tpu.dma_semaphore, #tpu.memory_space<semaphore_mem>>)
      %mul3A_103 = arith.constant 8 : i32
      %mul3A_104 = arith.muli %scan3A_38, %mul3A_103 : i32
      %add3A_105 = arith.constant 5 : i32
      %add3A_106 = arith.addi %mul3A_104, %add3A_105 : i32
      %dma_start3A_107 = arith.constant 640 : i32
      %dma_start3A_108 = arith.constant 0 : i32
      %dma_start3A_109 = tpu.memref_slice %arg6[%dma_start3A_107, %dma_start3A_108] : memref<1024x16xf32, #tpu.memory_space<vmem>> -> memref<128x16xf32, #tpu.memory_space<vmem>>
      %dma_start3A_110 = arith.constant 0 : i32
      %dma_start3A_111 = tpu.memref_slice %arg5[%add3A_106, %dma_start3A_110] : memref<32x128xi32, #tpu.memory_space<vmem>> -> memref<1x128xi32, #tpu.memory_space<vmem>>
      %dma_start3A_112 = tpu.memref_squeeze %dma_start3A_111 : memref<1x128xi32, #tpu.memory_space<vmem>> -> memref<128xi32, #tpu.memory_space<vmem>>
      %dma_start3A_113 = arith.constant 0 : i32
      %dma_start3A_114 = arith.constant 0 : i32
      %dma_start3A_115 = tpu.memref_slice %arg2[%dma_start3A_113, %dma_start3A_114] : memref<16384x16xf32, #tpu.memory_space<hbm>> -> memref<16384x16xf32, #tpu.memory_space<hbm>>
      tpu.enqueue_indirect_dma source(%dma_start3A_115 : memref<16384x16xf32, #tpu.memory_space<hbm>>) target(%dma_start3A_109 : memref<128x16xf32, #tpu.memory_space<vmem>>) offsets(%dma_start3A_112 : memref<128xi32, #tpu.memory_space<vmem>>) semaphore(%arg8 : memref<!tpu.dma_semaphore, #tpu.memory_space<semaphore_mem>>)
      %mul3A_116 = arith.constant 8 : i32
      %mul3A_117 = arith.muli %scan3A_38, %mul3A_116 : i32
      %add3A_118 = arith.constant 6 : i32
      %add3A_119 = arith.addi %mul3A_117, %add3A_118 : i32
      %dma_start3A_120 = arith.constant 768 : i32
      %dma_start3A_121 = arith.constant 0 : i32
      %dma_start3A_122 = tpu.memref_slice %arg6[%dma_start3A_120, %dma_start3A_121] : memref<1024x16xf32, #tpu.memory_space<vmem>> -> memref<128x16xf32, #tpu.memory_space<vmem>>
      %dma_start3A_123 = arith.constant 0 : i32
      %dma_start3A_124 = tpu.memref_slice %arg5[%add3A_119, %dma_start3A_123] : memref<32x128xi32, #tpu.memory_space<vmem>> -> memref<1x128xi32, #tpu.memory_space<vmem>>
      %dma_start3A_125 = tpu.memref_squeeze %dma_start3A_124 : memref<1x128xi32, #tpu.memory_space<vmem>> -> memref<128xi32, #tpu.memory_space<vmem>>
      %dma_start3A_126 = arith.constant 0 : i32
      %dma_start3A_127 = arith.constant 0 : i32
      %dma_start3A_128 = tpu.memref_slice %arg2[%dma_start3A_126, %dma_start3A_127] : memref<16384x16xf32, #tpu.memory_space<hbm>> -> memref<16384x16xf32, #tpu.memory_space<hbm>>
      tpu.enqueue_indirect_dma source(%dma_start3A_128 : memref<16384x16xf32, #tpu.memory_space<hbm>>) target(%dma_start3A_122 : memref<128x16xf32, #tpu.memory_space<vmem>>) offsets(%dma_start3A_125 : memref<128xi32, #tpu.memory_space<vmem>>) semaphore(%arg8 : memref<!tpu.dma_semaphore, #tpu.memory_space<semaphore_mem>>)
      %mul3A_129 = arith.constant 8 : i32
      %mul3A_130 = arith.muli %scan3A_38, %mul3A_129 : i32
      %add3A_131 = arith.constant 7 : i32
      %add3A_132 = arith.addi %mul3A_130, %add3A_131 : i32
      %dma_start3A_133 = arith.constant 896 : i32
      %dma_start3A_134 = arith.constant 0 : i32
      %dma_start3A_135 = tpu.memref_slice %arg6[%dma_start3A_133, %dma_start3A_134] : memref<1024x16xf32, #tpu.memory_space<vmem>> -> memref<128x16xf32, #tpu.memory_space<vmem>>
      %dma_start3A_136 = arith.constant 0 : i32
      %dma_start3A_137 = tpu.memref_slice %arg5[%add3A_132, %dma_start3A_136] : memref<32x128xi32, #tpu.memory_space<vmem>> -> memref<1x128xi32, #tpu.memory_space<vmem>>
      %dma_start3A_138 = tpu.memref_squeeze %dma_start3A_137 : memref<1x128xi32, #tpu.memory_space<vmem>> -> memref<128xi32, #tpu.memory_space<vmem>>
      %dma_start3A_139 = arith.constant 0 : i32
      %dma_start3A_140 = arith.constant 0 : i32
      %dma_start3A_141 = tpu.memref_slice %arg2[%dma_start3A_139, %dma_start3A_140] : memref<16384x16xf32, #tpu.memory_space<hbm>> -> memref<16384x16xf32, #tpu.memory_space<hbm>>
      tpu.enqueue_indirect_dma source(%dma_start3A_141 : memref<16384x16xf32, #tpu.memory_space<hbm>>) target(%dma_start3A_135 : memref<128x16xf32, #tpu.memory_space<vmem>>) offsets(%dma_start3A_138 : memref<128xi32, #tpu.memory_space<vmem>>) semaphore(%arg8 : memref<!tpu.dma_semaphore, #tpu.memory_space<semaphore_mem>>)
      %dma_wait3A = arith.constant 0 : i32
      %dma_wait3A_142 = arith.constant 0 : i32
      %dma_wait3A_143 = tpu.memref_slice %arg6[%dma_wait3A, %dma_wait3A_142] : memref<1024x16xf32, #tpu.memory_space<vmem>> -> memref<128x16xf32, #tpu.memory_space<vmem>>
      %dma_wait3A_144 = arith.constant 0 : i32
      %dma_wait3A_145 = tpu.memref_slice %arg5[%add3A_42, %dma_wait3A_144] : memref<32x128xi32, #tpu.memory_space<vmem>> -> memref<1x128xi32, #tpu.memory_space<vmem>>
      %dma_wait3A_146 = tpu.memref_squeeze %dma_wait3A_145 : memref<1x128xi32, #tpu.memory_space<vmem>> -> memref<128xi32, #tpu.memory_space<vmem>>
      %dma_wait3A_147 = arith.constant 0 : i32
      %dma_wait3A_148 = arith.constant 0 : i32
      %dma_wait3A_149 = tpu.memref_slice %arg2[%dma_wait3A_147, %dma_wait3A_148] : memref<16384x16xf32, #tpu.memory_space<hbm>> -> memref<16384x16xf32, #tpu.memory_space<hbm>>
      tpu.wait_indirect_dma semaphore(%arg8 : memref<!tpu.dma_semaphore, #tpu.memory_space<semaphore_mem>>) src(%dma_wait3A_149 : memref<16384x16xf32, #tpu.memory_space<hbm>>) dst(%dma_wait3A_143 : memref<128x16xf32, #tpu.memory_space<vmem>>)
      %dma_wait3A_150 = arith.constant 128 : i32
      %dma_wait3A_151 = arith.constant 0 : i32
      %dma_wait3A_152 = tpu.memref_slice %arg6[%dma_wait3A_150, %dma_wait3A_151] : memref<1024x16xf32, #tpu.memory_space<vmem>> -> memref<128x16xf32, #tpu.memory_space<vmem>>
      %dma_wait3A_153 = arith.constant 0 : i32
      %dma_wait3A_154 = tpu.memref_slice %arg5[%add3A_54, %dma_wait3A_153] : memref<32x128xi32, #tpu.memory_space<vmem>> -> memref<1x128xi32, #tpu.memory_space<vmem>>
      %dma_wait3A_155 = tpu.memref_squeeze %dma_wait3A_154 : memref<1x128xi32, #tpu.memory_space<vmem>> -> memref<128xi32, #tpu.memory_space<vmem>>
      %dma_wait3A_156 = arith.constant 0 : i32
      %dma_wait3A_157 = arith.constant 0 : i32
      %dma_wait3A_158 = tpu.memref_slice %arg2[%dma_wait3A_156, %dma_wait3A_157] : memref<16384x16xf32, #tpu.memory_space<hbm>> -> memref<16384x16xf32, #tpu.memory_space<hbm>>
      tpu.wait_indirect_dma semaphore(%arg8 : memref<!tpu.dma_semaphore, #tpu.memory_space<semaphore_mem>>) src(%dma_wait3A_158 : memref<16384x16xf32, #tpu.memory_space<hbm>>) dst(%dma_wait3A_152 : memref<128x16xf32, #tpu.memory_space<vmem>>)
      %dma_wait3A_159 = arith.constant 256 : i32
      %dma_wait3A_160 = arith.constant 0 : i32
      %dma_wait3A_161 = tpu.memref_slice %arg6[%dma_wait3A_159, %dma_wait3A_160] : memref<1024x16xf32, #tpu.memory_space<vmem>> -> memref<128x16xf32, #tpu.memory_space<vmem>>
      %dma_wait3A_162 = arith.constant 0 : i32
      %dma_wait3A_163 = tpu.memref_slice %arg5[%add3A_67, %dma_wait3A_162] : memref<32x128xi32, #tpu.memory_space<vmem>> -> memref<1x128xi32, #tpu.memory_space<vmem>>
      %dma_wait3A_164 = tpu.memref_squeeze %dma_wait3A_163 : memref<1x128xi32, #tpu.memory_space<vmem>> -> memref<128xi32, #tpu.memory_space<vmem>>
      %dma_wait3A_165 = arith.constant 0 : i32
      %dma_wait3A_166 = arith.constant 0 : i32
      %dma_wait3A_167 = tpu.memref_slice %arg2[%dma_wait3A_165, %dma_wait3A_166] : memref<16384x16xf32, #tpu.memory_space<hbm>> -> memref<16384x16xf32, #tpu.memory_space<hbm>>
      tpu.wait_indirect_dma semaphore(%arg8 : memref<!tpu.dma_semaphore, #tpu.memory_space<semaphore_mem>>) src(%dma_wait3A_167 : memref<16384x16xf32, #tpu.memory_space<hbm>>) dst(%dma_wait3A_161 : memref<128x16xf32, #tpu.memory_space<vmem>>)
      %dma_wait3A_168 = arith.constant 384 : i32
      %dma_wait3A_169 = arith.constant 0 : i32
      %dma_wait3A_170 = tpu.memref_slice %arg6[%dma_wait3A_168, %dma_wait3A_169] : memref<1024x16xf32, #tpu.memory_space<vmem>> -> memref<128x16xf32, #tpu.memory_space<vmem>>
      %dma_wait3A_171 = arith.constant 0 : i32
      %dma_wait3A_172 = tpu.memref_slice %arg5[%add3A_80, %dma_wait3A_171] : memref<32x128xi32, #tpu.memory_space<vmem>> -> memref<1x128xi32, #tpu.memory_space<vmem>>
      %dma_wait3A_173 = tpu.memref_squeeze %dma_wait3A_172 : memref<1x128xi32, #tpu.memory_space<vmem>> -> memref<128xi32, #tpu.memory_space<vmem>>
      %dma_wait3A_174 = arith.constant 0 : i32
      %dma_wait3A_175 = arith.constant 0 : i32
      %dma_wait3A_176 = tpu.memref_slice %arg2[%dma_wait3A_174, %dma_wait3A_175] : memref<16384x16xf32, #tpu.memory_space<hbm>> -> memref<16384x16xf32, #tpu.memory_space<hbm>>
      tpu.wait_indirect_dma semaphore(%arg8 : memref<!tpu.dma_semaphore, #tpu.memory_space<semaphore_mem>>) src(%dma_wait3A_176 : memref<16384x16xf32, #tpu.memory_space<hbm>>) dst(%dma_wait3A_170 : memref<128x16xf32, #tpu.memory_space<vmem>>)
      %dma_wait3A_177 = arith.constant 512 : i32
      %dma_wait3A_178 = arith.constant 0 : i32
      %dma_wait3A_179 = tpu.memref_slice %arg6[%dma_wait3A_177, %dma_wait3A_178] : memref<1024x16xf32, #tpu.memory_space<vmem>> -> memref<128x16xf32, #tpu.memory_space<vmem>>
      %dma_wait3A_180 = arith.constant 0 : i32
      %dma_wait3A_181 = tpu.memref_slice %arg5[%add3A_93, %dma_wait3A_180] : memref<32x128xi32, #tpu.memory_space<vmem>> -> memref<1x128xi32, #tpu.memory_space<vmem>>
      %dma_wait3A_182 = tpu.memref_squeeze %dma_wait3A_181 : memref<1x128xi32, #tpu.memory_space<vmem>> -> memref<128xi32, #tpu.memory_space<vmem>>
      %dma_wait3A_183 = arith.constant 0 : i32
      %dma_wait3A_184 = arith.constant 0 : i32
      %dma_wait3A_185 = tpu.memref_slice %arg2[%dma_wait3A_183, %dma_wait3A_184] : memref<16384x16xf32, #tpu.memory_space<hbm>> -> memref<16384x16xf32, #tpu.memory_space<hbm>>
      tpu.wait_indirect_dma semaphore(%arg8 : memref<!tpu.dma_semaphore, #tpu.memory_space<semaphore_mem>>) src(%dma_wait3A_185 : memref<16384x16xf32, #tpu.memory_space<hbm>>) dst(%dma_wait3A_179 : memref<128x16xf32, #tpu.memory_space<vmem>>)
      %dma_wait3A_186 = arith.constant 640 : i32
      %dma_wait3A_187 = arith.constant 0 : i32
      %dma_wait3A_188 = tpu.memref_slice %arg6[%dma_wait3A_186, %dma_wait3A_187] : memref<1024x16xf32, #tpu.memory_space<vmem>> -> memref<128x16xf32, #tpu.memory_space<vmem>>
      %dma_wait3A_189 = arith.constant 0 : i32
      %dma_wait3A_190 = tpu.memref_slice %arg5[%add3A_106, %dma_wait3A_189] : memref<32x128xi32, #tpu.memory_space<vmem>> -> memref<1x128xi32, #tpu.memory_space<vmem>>
      %dma_wait3A_191 = tpu.memref_squeeze %dma_wait3A_190 : memref<1x128xi32, #tpu.memory_space<vmem>> -> memref<128xi32, #tpu.memory_space<vmem>>
      %dma_wait3A_192 = arith.constant 0 : i32
      %dma_wait3A_193 = arith.constant 0 : i32
      %dma_wait3A_194 = tpu.memref_slice %arg2[%dma_wait3A_192, %dma_wait3A_193] : memref<16384x16xf32, #tpu.memory_space<hbm>> -> memref<16384x16xf32, #tpu.memory_space<hbm>>
      tpu.wait_indirect_dma semaphore(%arg8 : memref<!tpu.dma_semaphore, #tpu.memory_space<semaphore_mem>>) src(%dma_wait3A_194 : memref<16384x16xf32, #tpu.memory_space<hbm>>) dst(%dma_wait3A_188 : memref<128x16xf32, #tpu.memory_space<vmem>>)
      %dma_wait3A_195 = arith.constant 768 : i32
      %dma_wait3A_196 = arith.constant 0 : i32
      %dma_wait3A_197 = tpu.memref_slice %arg6[%dma_wait3A_195, %dma_wait3A_196] : memref<1024x16xf32, #tpu.memory_space<vmem>> -> memref<128x16xf32, #tpu.memory_space<vmem>>
      %dma_wait3A_198 = arith.constant 0 : i32
      %dma_wait3A_199 = tpu.memref_slice %arg5[%add3A_119, %dma_wait3A_198] : memref<32x128xi32, #tpu.memory_space<vmem>> -> memref<1x128xi32, #tpu.memory_space<vmem>>
      %dma_wait3A_200 = tpu.memref_squeeze %dma_wait3A_199 : memref<1x128xi32, #tpu.memory_space<vmem>> -> memref<128xi32, #tpu.memory_space<vmem>>
      %dma_wait3A_201 = arith.constant 0 : i32
      %dma_wait3A_202 = arith.constant 0 : i32
      %dma_wait3A_203 = tpu.memref_slice %arg2[%dma_wait3A_201, %dma_wait3A_202] : memref<16384x16xf32, #tpu.memory_space<hbm>> -> memref<16384x16xf32, #tpu.memory_space<hbm>>
      tpu.wait_indirect_dma semaphore(%arg8 : memref<!tpu.dma_semaphore, #tpu.memory_space<semaphore_mem>>) src(%dma_wait3A_203 : memref<16384x16xf32, #tpu.memory_space<hbm>>) dst(%dma_wait3A_197 : memref<128x16xf32, #tpu.memory_space<vmem>>)
      %dma_wait3A_204 = arith.constant 896 : i32
      %dma_wait3A_205 = arith.constant 0 : i32
      %dma_wait3A_206 = tpu.memref_slice %arg6[%dma_wait3A_204, %dma_wait3A_205] : memref<1024x16xf32, #tpu.memory_space<vmem>> -> memref<128x16xf32, #tpu.memory_space<vmem>>
      %dma_wait3A_207 = arith.constant 0 : i32
      %dma_wait3A_208 = tpu.memref_slice %arg5[%add3A_132, %dma_wait3A_207] : memref<32x128xi32, #tpu.memory_space<vmem>> -> memref<1x128xi32, #tpu.memory_space<vmem>>
      %dma_wait3A_209 = tpu.memref_squeeze %dma_wait3A_208 : memref<1x128xi32, #tpu.memory_space<vmem>> -> memref<128xi32, #tpu.memory_space<vmem>>
      %dma_wait3A_210 = arith.constant 0 : i32
      %dma_wait3A_211 = arith.constant 0 : i32
      %dma_wait3A_212 = tpu.memref_slice %arg2[%dma_wait3A_210, %dma_wait3A_211] : memref<16384x16xf32, #tpu.memory_space<hbm>> -> memref<16384x16xf32, #tpu.memory_space<hbm>>
      tpu.wait_indirect_dma semaphore(%arg8 : memref<!tpu.dma_semaphore, #tpu.memory_space<semaphore_mem>>) src(%dma_wait3A_212 : memref<16384x16xf32, #tpu.memory_space<hbm>>) dst(%dma_wait3A_206 : memref<128x16xf32, #tpu.memory_space<vmem>>)
      %mul3A_213 = arith.constant 1024 : i32
      %mul3A_214 = arith.muli %scan3A_38, %mul3A_213 : i32
      %scan3A_215 = arith.constant 0 : i32
      %scan3A_216 = arith.constant 0 : i32
      %scan3A_217 = arith.constant 128 : i32
      %scan3A_218 = arith.addi %scan3A_216, %scan3A_217 : i32
      %scan3A_219 = arith.constant 1 : i32
      scf.for %scan3A_221 = %scan3A_216 to %scan3A_218 step %scan3A_219  : i32 {
        %mul3A_222 = arith.constant 8 : i32
        %mul3A_223 = arith.muli %scan3A_221, %mul3A_222 : i32
        %add3A_224 = arith.constant 0 : i32
        %add3A_225 = arith.addi %mul3A_223, %add3A_224 : i32
        %add3A_226 = arith.addi %mul3A_214, %add3A_225 : i32
        %broadcast_in_dim3A = vector.broadcast %add3A_226 : i32 to vector<16xi32>
        %get3A = arith.index_cast %add3A_225 : i32 to index
        %get3A_227 = arith.constant 0 : index
        %get3A_228 = tpu.vector_load %arg6[%get3A, %get3A_227] {strides = array<i32>} : memref<1024x16xf32, #tpu.memory_space<vmem>>, vector<16xf32>,
        tpu.vector_store_idx %arg7[%iota3A, %broadcast_in_dim3A], %get3A_228 : memref<16x4096xf32, #tpu.memory_space<vmem>>[vector<16xi32>, vector<16xi32>], vector<16xf32>,
        %mul3A_229 = arith.constant 8 : i32
        %mul3A_230 = arith.muli %scan3A_221, %mul3A_229 : i32
        %add3A_231 = arith.constant 1 : i32
        %add3A_232 = arith.addi %mul3A_230, %add3A_231 : i32
        %add3A_233 = arith.addi %mul3A_214, %add3A_232 : i32
        %broadcast_in_dim3A_234 = vector.broadcast %add3A_233 : i32 to vector<16xi32>
        %get3A_235 = arith.index_cast %add3A_232 : i32 to index
        %get3A_236 = arith.constant 0 : index
        %get3A_237 = tpu.vector_load %arg6[%get3A_235, %get3A_236] {strides = array<i32>} : memref<1024x16xf32, #tpu.memory_space<vmem>>, vector<16xf32>,
        tpu.vector_store_idx %arg7[%iota3A, %broadcast_in_dim3A_234], %get3A_237 : memref<16x4096xf32, #tpu.memory_space<vmem>>[vector<16xi32>, vector<16xi32>], vector<16xf32>,
        %mul3A_238 = arith.constant 8 : i32
        %mul3A_239 = arith.muli %scan3A_221, %mul3A_238 : i32
        %add3A_240 = arith.constant 2 : i32
        %add3A_241 = arith.addi %mul3A_239, %add3A_240 : i32
        %add3A_242 = arith.addi %mul3A_214, %add3A_241 : i32
        %broadcast_in_dim3A_243 = vector.broadcast %add3A_242 : i32 to vector<16xi32>
        %get3A_244 = arith.index_cast %add3A_241 : i32 to index
        %get3A_245 = arith.constant 0 : index
        %get3A_246 = tpu.vector_load %arg6[%get3A_244, %get3A_245] {strides = array<i32>} : memref<1024x16xf32, #tpu.memory_space<vmem>>, vector<16xf32>,
        tpu.vector_store_idx %arg7[%iota3A, %broadcast_in_dim3A_243], %get3A_246 : memref<16x4096xf32, #tpu.memory_space<vmem>>[vector<16xi32>, vector<16xi32>], vector<16xf32>,
        %mul3A_247 = arith.constant 8 : i32
        %mul3A_248 = arith.muli %scan3A_221, %mul3A_247 : i32
        %add3A_249 = arith.constant 3 : i32
        %add3A_250 = arith.addi %mul3A_248, %add3A_249 : i32
        %add3A_251 = arith.addi %mul3A_214, %add3A_250 : i32
        %broadcast_in_dim3A_252 = vector.broadcast %add3A_251 : i32 to vector<16xi32>
        %get3A_253 = arith.index_cast %add3A_250 : i32 to index
        %get3A_254 = arith.constant 0 : index
        %get3A_255 = tpu.vector_load %arg6[%get3A_253, %get3A_254] {strides = array<i32>} : memref<1024x16xf32, #tpu.memory_space<vmem>>, vector<16xf32>,
        tpu.vector_store_idx %arg7[%iota3A, %broadcast_in_dim3A_252], %get3A_255 : memref<16x4096xf32, #tpu.memory_space<vmem>>[vector<16xi32>, vector<16xi32>], vector<16xf32>,
        %mul3A_256 = arith.constant 8 : i32
        %mul3A_257 = arith.muli %scan3A_221, %mul3A_256 : i32
        %add3A_258 = arith.constant 4 : i32
        %add3A_259 = arith.addi %mul3A_257, %add3A_258 : i32
        %add3A_260 = arith.addi %mul3A_214, %add3A_259 : i32
        %broadcast_in_dim3A_261 = vector.broadcast %add3A_260 : i32 to vector<16xi32>
        %get3A_262 = arith.index_cast %add3A_259 : i32 to index
        %get3A_263 = arith.constant 0 : index
        %get3A_264 = tpu.vector_load %arg6[%get3A_262, %get3A_263] {strides = array<i32>} : memref<1024x16xf32, #tpu.memory_space<vmem>>, vector<16xf32>,
        tpu.vector_store_idx %arg7[%iota3A, %broadcast_in_dim3A_261], %get3A_264 : memref<16x4096xf32, #tpu.memory_space<vmem>>[vector<16xi32>, vector<16xi32>], vector<16xf32>,
        %mul3A_265 = arith.constant 8 : i32
        %mul3A_266 = arith.muli %scan3A_221, %mul3A_265 : i32
        %add3A_267 = arith.constant 5 : i32
        %add3A_268 = arith.addi %mul3A_266, %add3A_267 : i32
        %add3A_269 = arith.addi %mul3A_214, %add3A_268 : i32
        %broadcast_in_dim3A_270 = vector.broadcast %add3A_269 : i32 to vector<16xi32>
        %get3A_271 = arith.index_cast %add3A_268 : i32 to index
        %get3A_272 = arith.constant 0 : index
        %get3A_273 = tpu.vector_load %arg6[%get3A_271, %get3A_272] {strides = array<i32>} : memref<1024x16xf32, #tpu.memory_space<vmem>>, vector<16xf32>,
        tpu.vector_store_idx %arg7[%iota3A, %broadcast_in_dim3A_270], %get3A_273 : memref<16x4096xf32, #tpu.memory_space<vmem>>[vector<16xi32>, vector<16xi32>], vector<16xf32>,
        %mul3A_274 = arith.constant 8 : i32
        %mul3A_275 = arith.muli %scan3A_221, %mul3A_274 : i32
        %add3A_276 = arith.constant 6 : i32
        %add3A_277 = arith.addi %mul3A_275, %add3A_276 : i32
        %add3A_278 = arith.addi %mul3A_214, %add3A_277 : i32
        %broadcast_in_dim3A_279 = vector.broadcast %add3A_278 : i32 to vector<16xi32>
        %get3A_280 = arith.index_cast %add3A_277 : i32 to index
        %get3A_281 = arith.constant 0 : index
        %get3A_282 = tpu.vector_load %arg6[%get3A_280, %get3A_281] {strides = array<i32>} : memref<1024x16xf32, #tpu.memory_space<vmem>>, vector<16xf32>,
        tpu.vector_store_idx %arg7[%iota3A, %broadcast_in_dim3A_279], %get3A_282 : memref<16x4096xf32, #tpu.memory_space<vmem>>[vector<16xi32>, vector<16xi32>], vector<16xf32>,
        %mul3A_283 = arith.constant 8 : i32
        %mul3A_284 = arith.muli %scan3A_221, %mul3A_283 : i32
        %add3A_285 = arith.constant 7 : i32
        %add3A_286 = arith.addi %mul3A_284, %add3A_285 : i32
        %add3A_287 = arith.addi %mul3A_214, %add3A_286 : i32
        %broadcast_in_dim3A_288 = vector.broadcast %add3A_287 : i32 to vector<16xi32>
        %get3A_289 = arith.index_cast %add3A_286 : i32 to index
        %get3A_290 = arith.constant 0 : index
        %get3A_291 = tpu.vector_load %arg6[%get3A_289, %get3A_290] {strides = array<i32>} : memref<1024x16xf32, #tpu.memory_space<vmem>>, vector<16xf32>,
        tpu.vector_store_idx %arg7[%iota3A, %broadcast_in_dim3A_288], %get3A_291 : memref<16x4096xf32, #tpu.memory_space<vmem>>[vector<16xi32>, vector<16xi32>], vector<16xf32>,
      }
      %scan3A_220 = arith.constant 128 : i32
    }
    %scan3A_37 = arith.constant 4 : i32
    "tpu.region"() ({
      %run_scoped3A = tpu.sem_alloc : memref<!tpu.dma_semaphore, #tpu.memory_space<semaphore_mem>>
      %dma_start3A = arith.constant 0 : i32
      %dma_start3A_38 = tpu.memref_slice %arg4[%select_n3A, %dma_start3A, %mul3A_32] : memref<8x16x16384xf32, #tpu.memory_space<hbm>> -> memref<1x16x4096xf32, #tpu.memory_space<hbm>>
      %dma_start3A_39 = tpu.memref_squeeze %dma_start3A_38 : memref<1x16x4096xf32, #tpu.memory_space<hbm>> -> memref<16x4096xf32, #tpu.memory_space<hbm>>
      %dma_start3A_40 = arith.constant 0 : i32
      %dma_start3A_41 = tpu.memref_slice %arg4[%select_n3A, %dma_start3A_40, %mul3A_32] : memref<8x16x16384xf32, #tpu.memory_space<hbm>> -> memref<1x16x4096xf32, #tpu.memory_space<hbm>>
      %dma_start3A_42 = tpu.memref_squeeze %dma_start3A_41 : memref<1x16x4096xf32, #tpu.memory_space<hbm>> -> memref<16x4096xf32, #tpu.memory_space<hbm>>
      tpu.enqueue_dma source(%arg7 : memref<16x4096xf32, #tpu.memory_space<vmem>>) target(%dma_start3A_42 : memref<16x4096xf32, #tpu.memory_space<hbm>>) target_semaphore(%run_scoped3A : memref<!tpu.dma_semaphore, #tpu.memory_space<semaphore_mem>>)
      %dma_wait3A = arith.constant 0 : i32
      %dma_wait3A_43 = tpu.memref_slice %arg4[%select_n3A, %dma_wait3A, %mul3A_32] : memref<8x16x16384xf32, #tpu.memory_space<hbm>> -> memref<1x16x4096xf32, #tpu.memory_space<hbm>>
      %dma_wait3A_44 = tpu.memref_squeeze %dma_wait3A_43 : memref<1x16x4096xf32, #tpu.memory_space<hbm>> -> memref<16x4096xf32, #tpu.memory_space<hbm>>
      %dma_wait3A_45 = arith.constant 0 : i32
      %dma_wait3A_46 = tpu.memref_slice %arg4[%select_n3A, %dma_wait3A_45, %mul3A_32] : memref<8x16x16384xf32, #tpu.memory_space<hbm>> -> memref<1x16x4096xf32, #tpu.memory_space<hbm>>
      %dma_wait3A_47 = tpu.memref_squeeze %dma_wait3A_46 : memref<1x16x4096xf32, #tpu.memory_space<hbm>> -> memref<16x4096xf32, #tpu.memory_space<hbm>>
      tpu.wait_dma2 semaphore(%run_scoped3A : memref<!tpu.dma_semaphore, #tpu.memory_space<semaphore_mem>>) src(%arg7 : memref<16x4096xf32, #tpu.memory_space<vmem>>) dst(%dma_wait3A_47 : memref<16x4096xf32, #tpu.memory_space<hbm>>)
      tpu.yield
    }) : () -> ()
    return
  }
}

module attributes {stable_mosaic.version = 14 : i64} {
  func.func @body(%arg0: i32, %arg1: memref<8x16x2048xf32, #tpu.memory_space<vmem>>, %arg2: memref<16x2048xf32, #tpu.memory_space<vmem>>, %arg3: memref<16x130x130xf32, #tpu.memory_space<vmem>>, %arg4: memref<208x16xf32, #tpu.memory_space<vmem>>, %arg5: memref<204x16xf32, #tpu.memory_space<vmem>>, %arg6: memref<12x192xf32, #tpu.memory_space<vmem>>, %arg7: memref<16x192xf32, #tpu.memory_space<vmem>>, %arg8: memref<16x144xf32, #tpu.memory_space<vmem>>, %arg9: memref<16x1xf32, #tpu.memory_space<vmem>>, %arg10: memref<12x1xf32, #tpu.memory_space<vmem>>, %arg11: memref<16x1xf32, #tpu.memory_space<vmem>>, %arg12: memref<16x2048xf32, #tpu.memory_space<vmem>>) attributes {dimension_semantics = [#tpu.dimension_semantics<arbitrary>], iteration_bounds = array<i64: 8>, scalar_prefetch = 0 : i64, scratch_operands = 0 : i64, tpu.core_type = #tpu.core_type<tc>, window_params = [{transform_indices = @transform_0, window_bounds = array<i64: 8, 16, 2048>}, {transform_indices = @transform_1, window_bounds = array<i64: 16, 2048>}, {pipeline_mode = #tpu.pipeline_mode<synchronous>, transform_indices = @transform_2, window_bounds = array<i64: 16, 130, 130>}, {pipeline_mode = #tpu.pipeline_mode<synchronous>, transform_indices = @transform_3, window_bounds = array<i64: 208, 16>}, {pipeline_mode = #tpu.pipeline_mode<synchronous>, transform_indices = @transform_4, window_bounds = array<i64: 204, 16>}, {pipeline_mode = #tpu.pipeline_mode<synchronous>, transform_indices = @transform_5, window_bounds = array<i64: 12, 192>}, {pipeline_mode = #tpu.pipeline_mode<synchronous>, transform_indices = @transform_6, window_bounds = array<i64: 16, 192>}, {pipeline_mode = #tpu.pipeline_mode<synchronous>, transform_indices = @transform_7, window_bounds = array<i64: 16, 144>}, {pipeline_mode = #tpu.pipeline_mode<synchronous>, transform_indices = @transform_8, window_bounds = array<i64: 16, 1>}, {pipeline_mode = #tpu.pipeline_mode<synchronous>, transform_indices = @transform_9, window_bounds = array<i64: 12, 1>}, {pipeline_mode = #tpu.pipeline_mode<synchronous>, transform_indices = @transform_10, window_bounds = array<i64: 16, 1>}, {transform_indices = @transform_11, window_bounds = array<i64: 16, 2048>}]} {
    %get3A = arith.constant 0 : index
    %get3A_0 = arith.constant 0 : index
    %get3A_1 = vector.load %arg2[%get3A, %get3A_0] : memref<16x2048xf32, #tpu.memory_space<vmem>>, vector<16x2048xf32>
    %convert_element_type3A = arith.truncf %get3A_1 : vector<16x2048xf32> to vector<16x2048xbf16>
    %get3A_2 = arith.constant 0 : index
    %get3A_3 = arith.constant 0 : index
    %get3A_4 = vector.load %arg4[%get3A_2, %get3A_3] : memref<208x16xf32, #tpu.memory_space<vmem>>, vector<208x16xf32>
    %convert_element_type3A_5 = arith.truncf %get3A_4 : vector<208x16xf32> to vector<208x16xbf16>
    %get3A_6 = arith.constant 0 : index
    %get3A_7 = arith.constant 0 : index
    %get3A_8 = vector.load %arg5[%get3A_6, %get3A_7] : memref<204x16xf32, #tpu.memory_space<vmem>>, vector<204x16xf32>
    %convert_element_type3A_9 = arith.truncf %get3A_8 : vector<204x16xf32> to vector<204x16xbf16>
    %get3A_10 = arith.constant 0 : index
    %get3A_11 = arith.constant 0 : index
    %get3A_12 = vector.load %arg6[%get3A_10, %get3A_11] : memref<12x192xf32, #tpu.memory_space<vmem>>, vector<12x192xf32>
    %convert_element_type3A_13 = arith.truncf %get3A_12 : vector<12x192xf32> to vector<12x192xbf16>
    %get3A_14 = arith.constant 0 : index
    %get3A_15 = arith.constant 0 : index
    %get3A_16 = vector.load %arg7[%get3A_14, %get3A_15] : memref<16x192xf32, #tpu.memory_space<vmem>>, vector<16x192xf32>
    %convert_element_type3A_17 = arith.truncf %get3A_16 : vector<16x192xf32> to vector<16x192xbf16>
    %get3A_18 = arith.constant 0 : index
    %get3A_19 = arith.constant 0 : index
    %get3A_20 = vector.load %arg9[%get3A_18, %get3A_19] : memref<16x1xf32, #tpu.memory_space<vmem>>, vector<16x1xf32>
    %get3A_21 = arith.constant 0 : index
    %get3A_22 = arith.constant 0 : index
    %get3A_23 = vector.load %arg10[%get3A_21, %get3A_22] : memref<12x1xf32, #tpu.memory_space<vmem>>, vector<12x1xf32>
    %slice3A = vector.extract_strided_slice %convert_element_type3A_5 {offsets = [0, 0], sizes = [16, 16], strides = [1, 1]} : vector<208x16xbf16> to vector<16x16xbf16>
    %dot_general3A = arith.constant dense<0.000000e+00> : vector<16x2048xf32>
    %dot_general3A_24 = tpu.matmul %slice3A, %convert_element_type3A, %dot_general3A {dimension_numbers = #tpu.dot_dimension_numbers<[1], [0], [0], [1], [0, 0, 1, 1], [], []>, transpose_lhs_hint = false} : vector<16x16xbf16>, vector<16x2048xbf16>, vector<16x2048xf32> -> vector<16x2048xf32>
    %broadcast_in_dim3A = arith.constant 0.000000e+00 : f32
    %broadcast_in_dim3A_25 = vector.broadcast %broadcast_in_dim3A : f32 to vector<16x2048xf32>
    %get3A_26 = arith.constant 0 : index
    %get3A_27 = arith.constant 0 : index
    %get3A_28 = arith.constant 0 : index
    %get3A_29 = vector.load %arg1[%get3A_26, %get3A_27, %get3A_28] : memref<8x16x2048xf32, #tpu.memory_space<vmem>>, vector<1x16x2048xf32>
    %get3A_30 = vector.shape_cast %get3A_29 : vector<1x16x2048xf32> to vector<16x2048xf32>
    %convert_element_type3A_31 = arith.truncf %get3A_30 : vector<16x2048xf32> to vector<16x2048xbf16>
    %dot_general3A_32 = arith.constant dense<0.000000e+00> : vector<208x2048xf32>
    %dot_general3A_33 = tpu.matmul %convert_element_type3A_5, %convert_element_type3A_31, %dot_general3A_32 {dimension_numbers = #tpu.dot_dimension_numbers<[1], [0], [0], [1], [0, 0, 1, 1], [], []>, transpose_lhs_hint = false} : vector<208x16xbf16>, vector<16x2048xbf16>, vector<208x2048xf32> -> vector<208x2048xf32>
    %slice3A_34 = vector.extract_strided_slice %dot_general3A_33 {offsets = [0, 0], sizes = [16, 2048], strides = [1, 1]} : vector<208x2048xf32> to vector<16x2048xf32>
    %sub3A = arith.subf %slice3A_34, %dot_general3A_24 : vector<16x2048xf32>
    %add3A = vector.broadcast %get3A_20 : vector<16x1xf32> to vector<16x2048xf32>
    %add3A_35 = arith.addf %sub3A, %add3A : vector<16x2048xf32>
    %slice3A_36 = vector.extract_strided_slice %dot_general3A_33 {offsets = [16, 0], sizes = [192, 2048], strides = [1, 1]} : vector<208x2048xf32> to vector<192x2048xf32>
    %convert_element_type3A_37 = arith.truncf %slice3A_36 : vector<192x2048xf32> to vector<192x2048xbf16>
    %sub3A_38 = arith.subf %get3A_30, %get3A_1 : vector<16x2048xf32>
    %ge3A = arith.constant 0.000000e+00 : f32
    %ge3A_39 = vector.broadcast %ge3A : f32 to vector<16x2048xf32>
    %ge3A_40 = arith.cmpf oge, %add3A_35, %ge3A_39 : vector<16x2048xf32>
    %mul3A = arith.constant 0.00999999977 : f32
    %mul3A_41 = vector.broadcast %mul3A : f32 to vector<16x2048xf32>
    %mul3A_42 = arith.mulf %mul3A_41, %add3A_35 : vector<16x2048xf32>
    %select_n3A = arith.select %ge3A_40, %add3A_35, %mul3A_42 : vector<16x2048xi1>, vector<16x2048xf32>
    %convert_element_type3A_43 = arith.truncf %select_n3A : vector<16x2048xf32> to vector<16x2048xbf16>
    %dot_general3A_44 = arith.constant dense<0.000000e+00> : vector<204x2048xf32>
    %dot_general3A_45 = tpu.matmul %convert_element_type3A_9, %convert_element_type3A_43, %dot_general3A_44 {dimension_numbers = #tpu.dot_dimension_numbers<[1], [0], [0], [1], [0, 0, 1, 1], [], []>, transpose_lhs_hint = false} : vector<204x16xbf16>, vector<16x2048xbf16>, vector<204x2048xf32> -> vector<204x2048xf32>
    %slice3A_46 = vector.extract_strided_slice %dot_general3A_45 {offsets = [0, 0], sizes = [192, 2048], strides = [1, 1]} : vector<204x2048xf32> to vector<192x2048xf32>
    %convert_element_type3A_47 = arith.truncf %slice3A_46 : vector<192x2048xf32> to vector<192x2048xbf16>
    %slice3A_48 = vector.extract_strided_slice %dot_general3A_45 {offsets = [192, 0], sizes = [12, 2048], strides = [1, 1]} : vector<204x2048xf32> to vector<12x2048xf32>
    %add3A_49 = vector.broadcast %get3A_23 : vector<12x1xf32> to vector<12x2048xf32>
    %add3A_50 = arith.addf %slice3A_48, %add3A_49 : vector<12x2048xf32>
    %broadcast_in_dim3A_51 = vector.shape_cast %convert_element_type3A_43 : vector<16x2048xbf16> to vector<16x1x2048xbf16>
    %broadcast_in_dim3A_52 = vector.broadcast %broadcast_in_dim3A_51 : vector<16x1x2048xbf16> to vector<16x12x2048xbf16>
    %reshape3A = vector.shape_cast %broadcast_in_dim3A_52 : vector<16x12x2048xbf16> to vector<192x2048xbf16>
    %mul3A_53 = arith.mulf %reshape3A, %convert_element_type3A_37 : vector<192x2048xbf16>
    %dot_general3A_54 = arith.constant dense<0.000000e+00> : vector<12x2048xf32>
    %dot_general3A_55 = tpu.matmul %convert_element_type3A_13, %mul3A_53, %dot_general3A_54 {dimension_numbers = #tpu.dot_dimension_numbers<[1], [0], [0], [1], [0, 0, 1, 1], [], []>, transpose_lhs_hint = false} : vector<12x192xbf16>, vector<192x2048xbf16>, vector<12x2048xf32> -> vector<12x2048xf32>
    %mul3A_56 = arith.mulf %sub3A_38, %sub3A_38 : vector<16x2048xf32>
    %reduce_sum3A = arith.constant dense<0.000000e+00> : vector<2048xf32>
    %reduce_sum3A_57 = vector.multi_reduction <add>, %mul3A_56, %reduce_sum3A [0] : vector<16x2048xf32> to vector<2048xf32>
    %broadcast_in_dim3A_58 = vector.shape_cast %reduce_sum3A_57 : vector<2048xf32> to vector<1x2048xf32>
    %mul3A_59 = arith.constant -1.000000e-01 : f32
    %mul3A_60 = vector.broadcast %mul3A_59 : f32 to vector<1x2048xf32>
    %mul3A_61 = arith.mulf %broadcast_in_dim3A_58, %mul3A_60 : vector<1x2048xf32>
    %exp3A = math.exp %mul3A_61 : vector<1x2048xf32>
    %mul3A_62 = arith.mulf %add3A_50, %dot_general3A_55 : vector<12x2048xf32>
    %mul3A_63 = vector.broadcast %exp3A : vector<1x2048xf32> to vector<12x2048xf32>
    %mul3A_64 = arith.mulf %mul3A_62, %mul3A_63 : vector<12x2048xf32>
    %convert_element_type3A_65 = arith.truncf %mul3A_64 : vector<12x2048xf32> to vector<12x2048xbf16>
    %tile3A = tpu.concatenate %convert_element_type3A_65, %convert_element_type3A_65, %convert_element_type3A_65, %convert_element_type3A_65, %convert_element_type3A_65, %convert_element_type3A_65, %convert_element_type3A_65, %convert_element_type3A_65, %convert_element_type3A_65, %convert_element_type3A_65, %convert_element_type3A_65, %convert_element_type3A_65, %convert_element_type3A_65, %convert_element_type3A_65, %convert_element_type3A_65, %convert_element_type3A_65 in 0 : vector<12x2048xbf16>, vector<12x2048xbf16>, vector<12x2048xbf16>, vector<12x2048xbf16>, vector<12x2048xbf16>, vector<12x2048xbf16>, vector<12x2048xbf16>, vector<12x2048xbf16>, vector<12x2048xbf16>, vector<12x2048xbf16>, vector<12x2048xbf16>, vector<12x2048xbf16>, vector<12x2048xbf16>, vector<12x2048xbf16>, vector<12x2048xbf16>, vector<12x2048xbf16> -> vector<192x2048xbf16>
    %mul3A_66 = arith.mulf %convert_element_type3A_47, %tile3A : vector<192x2048xbf16>
    %dot_general3A_67 = arith.constant dense<0.000000e+00> : vector<16x2048xf32>
    %dot_general3A_68 = tpu.matmul %convert_element_type3A_17, %mul3A_66, %dot_general3A_67 {dimension_numbers = #tpu.dot_dimension_numbers<[1], [0], [0], [1], [0, 0, 1, 1], [], []>, transpose_lhs_hint = false} : vector<16x192xbf16>, vector<192x2048xbf16>, vector<16x2048xf32> -> vector<16x2048xf32>
    %add3A_69 = arith.addf %broadcast_in_dim3A_25, %dot_general3A_68 : vector<16x2048xf32>
    %get3A_70 = arith.constant 1 : index
    %get3A_71 = arith.constant 0 : index
    %get3A_72 = arith.constant 0 : index
    %get3A_73 = vector.load %arg1[%get3A_70, %get3A_71, %get3A_72] : memref<8x16x2048xf32, #tpu.memory_space<vmem>>, vector<1x16x2048xf32>
    %get3A_74 = vector.shape_cast %get3A_73 : vector<1x16x2048xf32> to vector<16x2048xf32>
    %convert_element_type3A_75 = arith.truncf %get3A_74 : vector<16x2048xf32> to vector<16x2048xbf16>
    %dot_general3A_76 = arith.constant dense<0.000000e+00> : vector<208x2048xf32>
    %dot_general3A_77 = tpu.matmul %convert_element_type3A_5, %convert_element_type3A_75, %dot_general3A_76 {dimension_numbers = #tpu.dot_dimension_numbers<[1], [0], [0], [1], [0, 0, 1, 1], [], []>, transpose_lhs_hint = false} : vector<208x16xbf16>, vector<16x2048xbf16>, vector<208x2048xf32> -> vector<208x2048xf32>
    %slice3A_78 = vector.extract_strided_slice %dot_general3A_77 {offsets = [0, 0], sizes = [16, 2048], strides = [1, 1]} : vector<208x2048xf32> to vector<16x2048xf32>
    %sub3A_79 = arith.subf %slice3A_78, %dot_general3A_24 : vector<16x2048xf32>
    %add3A_80 = vector.broadcast %get3A_20 : vector<16x1xf32> to vector<16x2048xf32>
    %add3A_81 = arith.addf %sub3A_79, %add3A_80 : vector<16x2048xf32>
    %slice3A_82 = vector.extract_strided_slice %dot_general3A_77 {offsets = [16, 0], sizes = [192, 2048], strides = [1, 1]} : vector<208x2048xf32> to vector<192x2048xf32>
    %convert_element_type3A_83 = arith.truncf %slice3A_82 : vector<192x2048xf32> to vector<192x2048xbf16>
    %sub3A_84 = arith.subf %get3A_74, %get3A_1 : vector<16x2048xf32>
    %ge3A_85 = arith.constant 0.000000e+00 : f32
    %ge3A_86 = vector.broadcast %ge3A_85 : f32 to vector<16x2048xf32>
    %ge3A_87 = arith.cmpf oge, %add3A_81, %ge3A_86 : vector<16x2048xf32>
    %mul3A_88 = arith.constant 0.00999999977 : f32
    %mul3A_89 = vector.broadcast %mul3A_88 : f32 to vector<16x2048xf32>
    %mul3A_90 = arith.mulf %mul3A_89, %add3A_81 : vector<16x2048xf32>
    %select_n3A_91 = arith.select %ge3A_87, %add3A_81, %mul3A_90 : vector<16x2048xi1>, vector<16x2048xf32>
    %convert_element_type3A_92 = arith.truncf %select_n3A_91 : vector<16x2048xf32> to vector<16x2048xbf16>
    %dot_general3A_93 = arith.constant dense<0.000000e+00> : vector<204x2048xf32>
    %dot_general3A_94 = tpu.matmul %convert_element_type3A_9, %convert_element_type3A_92, %dot_general3A_93 {dimension_numbers = #tpu.dot_dimension_numbers<[1], [0], [0], [1], [0, 0, 1, 1], [], []>, transpose_lhs_hint = false} : vector<204x16xbf16>, vector<16x2048xbf16>, vector<204x2048xf32> -> vector<204x2048xf32>
    %slice3A_95 = vector.extract_strided_slice %dot_general3A_94 {offsets = [0, 0], sizes = [192, 2048], strides = [1, 1]} : vector<204x2048xf32> to vector<192x2048xf32>
    %convert_element_type3A_96 = arith.truncf %slice3A_95 : vector<192x2048xf32> to vector<192x2048xbf16>
    %slice3A_97 = vector.extract_strided_slice %dot_general3A_94 {offsets = [192, 0], sizes = [12, 2048], strides = [1, 1]} : vector<204x2048xf32> to vector<12x2048xf32>
    %add3A_98 = vector.broadcast %get3A_23 : vector<12x1xf32> to vector<12x2048xf32>
    %add3A_99 = arith.addf %slice3A_97, %add3A_98 : vector<12x2048xf32>
    %broadcast_in_dim3A_100 = vector.shape_cast %convert_element_type3A_92 : vector<16x2048xbf16> to vector<16x1x2048xbf16>
    %broadcast_in_dim3A_101 = vector.broadcast %broadcast_in_dim3A_100 : vector<16x1x2048xbf16> to vector<16x12x2048xbf16>
    %reshape3A_102 = vector.shape_cast %broadcast_in_dim3A_101 : vector<16x12x2048xbf16> to vector<192x2048xbf16>
    %mul3A_103 = arith.mulf %reshape3A_102, %convert_element_type3A_83 : vector<192x2048xbf16>
    %dot_general3A_104 = arith.constant dense<0.000000e+00> : vector<12x2048xf32>
    %dot_general3A_105 = tpu.matmul %convert_element_type3A_13, %mul3A_103, %dot_general3A_104 {dimension_numbers = #tpu.dot_dimension_numbers<[1], [0], [0], [1], [0, 0, 1, 1], [], []>, transpose_lhs_hint = false} : vector<12x192xbf16>, vector<192x2048xbf16>, vector<12x2048xf32> -> vector<12x2048xf32>
    %mul3A_106 = arith.mulf %sub3A_84, %sub3A_84 : vector<16x2048xf32>
    %reduce_sum3A_107 = arith.constant dense<0.000000e+00> : vector<2048xf32>
    %reduce_sum3A_108 = vector.multi_reduction <add>, %mul3A_106, %reduce_sum3A_107 [0] : vector<16x2048xf32> to vector<2048xf32>
    %broadcast_in_dim3A_109 = vector.shape_cast %reduce_sum3A_108 : vector<2048xf32> to vector<1x2048xf32>
    %mul3A_110 = arith.constant -1.000000e-01 : f32
    %mul3A_111 = vector.broadcast %mul3A_110 : f32 to vector<1x2048xf32>
    %mul3A_112 = arith.mulf %broadcast_in_dim3A_109, %mul3A_111 : vector<1x2048xf32>
    %exp3A_113 = math.exp %mul3A_112 : vector<1x2048xf32>
    %mul3A_114 = arith.mulf %add3A_99, %dot_general3A_105 : vector<12x2048xf32>
    %mul3A_115 = vector.broadcast %exp3A_113 : vector<1x2048xf32> to vector<12x2048xf32>
    %mul3A_116 = arith.mulf %mul3A_114, %mul3A_115 : vector<12x2048xf32>
    %convert_element_type3A_117 = arith.truncf %mul3A_116 : vector<12x2048xf32> to vector<12x2048xbf16>
    %tile3A_118 = tpu.concatenate %convert_element_type3A_117, %convert_element_type3A_117, %convert_element_type3A_117, %convert_element_type3A_117, %convert_element_type3A_117, %convert_element_type3A_117, %convert_element_type3A_117, %convert_element_type3A_117, %convert_element_type3A_117, %convert_element_type3A_117, %convert_element_type3A_117, %convert_element_type3A_117, %convert_element_type3A_117, %convert_element_type3A_117, %convert_element_type3A_117, %convert_element_type3A_117 in 0 : vector<12x2048xbf16>, vector<12x2048xbf16>, vector<12x2048xbf16>, vector<12x2048xbf16>, vector<12x2048xbf16>, vector<12x2048xbf16>, vector<12x2048xbf16>, vector<12x2048xbf16>, vector<12x2048xbf16>, vector<12x2048xbf16>, vector<12x2048xbf16>, vector<12x2048xbf16>, vector<12x2048xbf16>, vector<12x2048xbf16>, vector<12x2048xbf16>, vector<12x2048xbf16> -> vector<192x2048xbf16>
    %mul3A_119 = arith.mulf %convert_element_type3A_96, %tile3A_118 : vector<192x2048xbf16>
    %dot_general3A_120 = arith.constant dense<0.000000e+00> : vector<16x2048xf32>
    %dot_general3A_121 = tpu.matmul %convert_element_type3A_17, %mul3A_119, %dot_general3A_120 {dimension_numbers = #tpu.dot_dimension_numbers<[1], [0], [0], [1], [0, 0, 1, 1], [], []>, transpose_lhs_hint = false} : vector<16x192xbf16>, vector<192x2048xbf16>, vector<16x2048xf32> -> vector<16x2048xf32>
    %add3A_122 = arith.addf %add3A_69, %dot_general3A_121 : vector<16x2048xf32>
    %get3A_123 = arith.constant 2 : index
    %get3A_124 = arith.constant 0 : index
    %get3A_125 = arith.constant 0 : index
    %get3A_126 = vector.load %arg1[%get3A_123, %get3A_124, %get3A_125] : memref<8x16x2048xf32, #tpu.memory_space<vmem>>, vector<1x16x2048xf32>
    %get3A_127 = vector.shape_cast %get3A_126 : vector<1x16x2048xf32> to vector<16x2048xf32>
    %convert_element_type3A_128 = arith.truncf %get3A_127 : vector<16x2048xf32> to vector<16x2048xbf16>
    %dot_general3A_129 = arith.constant dense<0.000000e+00> : vector<208x2048xf32>
    %dot_general3A_130 = tpu.matmul %convert_element_type3A_5, %convert_element_type3A_128, %dot_general3A_129 {dimension_numbers = #tpu.dot_dimension_numbers<[1], [0], [0], [1], [0, 0, 1, 1], [], []>, transpose_lhs_hint = false} : vector<208x16xbf16>, vector<16x2048xbf16>, vector<208x2048xf32> -> vector<208x2048xf32>
    %slice3A_131 = vector.extract_strided_slice %dot_general3A_130 {offsets = [0, 0], sizes = [16, 2048], strides = [1, 1]} : vector<208x2048xf32> to vector<16x2048xf32>
    %sub3A_132 = arith.subf %slice3A_131, %dot_general3A_24 : vector<16x2048xf32>
    %add3A_133 = vector.broadcast %get3A_20 : vector<16x1xf32> to vector<16x2048xf32>
    %add3A_134 = arith.addf %sub3A_132, %add3A_133 : vector<16x2048xf32>
    %slice3A_135 = vector.extract_strided_slice %dot_general3A_130 {offsets = [16, 0], sizes = [192, 2048], strides = [1, 1]} : vector<208x2048xf32> to vector<192x2048xf32>
    %convert_element_type3A_136 = arith.truncf %slice3A_135 : vector<192x2048xf32> to vector<192x2048xbf16>
    %sub3A_137 = arith.subf %get3A_127, %get3A_1 : vector<16x2048xf32>
    %ge3A_138 = arith.constant 0.000000e+00 : f32
    %ge3A_139 = vector.broadcast %ge3A_138 : f32 to vector<16x2048xf32>
    %ge3A_140 = arith.cmpf oge, %add3A_134, %ge3A_139 : vector<16x2048xf32>
    %mul3A_141 = arith.constant 0.00999999977 : f32
    %mul3A_142 = vector.broadcast %mul3A_141 : f32 to vector<16x2048xf32>
    %mul3A_143 = arith.mulf %mul3A_142, %add3A_134 : vector<16x2048xf32>
    %select_n3A_144 = arith.select %ge3A_140, %add3A_134, %mul3A_143 : vector<16x2048xi1>, vector<16x2048xf32>
    %convert_element_type3A_145 = arith.truncf %select_n3A_144 : vector<16x2048xf32> to vector<16x2048xbf16>
    %dot_general3A_146 = arith.constant dense<0.000000e+00> : vector<204x2048xf32>
    %dot_general3A_147 = tpu.matmul %convert_element_type3A_9, %convert_element_type3A_145, %dot_general3A_146 {dimension_numbers = #tpu.dot_dimension_numbers<[1], [0], [0], [1], [0, 0, 1, 1], [], []>, transpose_lhs_hint = false} : vector<204x16xbf16>, vector<16x2048xbf16>, vector<204x2048xf32> -> vector<204x2048xf32>
    %slice3A_148 = vector.extract_strided_slice %dot_general3A_147 {offsets = [0, 0], sizes = [192, 2048], strides = [1, 1]} : vector<204x2048xf32> to vector<192x2048xf32>
    %convert_element_type3A_149 = arith.truncf %slice3A_148 : vector<192x2048xf32> to vector<192x2048xbf16>
    %slice3A_150 = vector.extract_strided_slice %dot_general3A_147 {offsets = [192, 0], sizes = [12, 2048], strides = [1, 1]} : vector<204x2048xf32> to vector<12x2048xf32>
    %add3A_151 = vector.broadcast %get3A_23 : vector<12x1xf32> to vector<12x2048xf32>
    %add3A_152 = arith.addf %slice3A_150, %add3A_151 : vector<12x2048xf32>
    %broadcast_in_dim3A_153 = vector.shape_cast %convert_element_type3A_145 : vector<16x2048xbf16> to vector<16x1x2048xbf16>
    %broadcast_in_dim3A_154 = vector.broadcast %broadcast_in_dim3A_153 : vector<16x1x2048xbf16> to vector<16x12x2048xbf16>
    %reshape3A_155 = vector.shape_cast %broadcast_in_dim3A_154 : vector<16x12x2048xbf16> to vector<192x2048xbf16>
    %mul3A_156 = arith.mulf %reshape3A_155, %convert_element_type3A_136 : vector<192x2048xbf16>
    %dot_general3A_157 = arith.constant dense<0.000000e+00> : vector<12x2048xf32>
    %dot_general3A_158 = tpu.matmul %convert_element_type3A_13, %mul3A_156, %dot_general3A_157 {dimension_numbers = #tpu.dot_dimension_numbers<[1], [0], [0], [1], [0, 0, 1, 1], [], []>, transpose_lhs_hint = false} : vector<12x192xbf16>, vector<192x2048xbf16>, vector<12x2048xf32> -> vector<12x2048xf32>
    %mul3A_159 = arith.mulf %sub3A_137, %sub3A_137 : vector<16x2048xf32>
    %reduce_sum3A_160 = arith.constant dense<0.000000e+00> : vector<2048xf32>
    %reduce_sum3A_161 = vector.multi_reduction <add>, %mul3A_159, %reduce_sum3A_160 [0] : vector<16x2048xf32> to vector<2048xf32>
    %broadcast_in_dim3A_162 = vector.shape_cast %reduce_sum3A_161 : vector<2048xf32> to vector<1x2048xf32>
    %mul3A_163 = arith.constant -1.000000e-01 : f32
    %mul3A_164 = vector.broadcast %mul3A_163 : f32 to vector<1x2048xf32>
    %mul3A_165 = arith.mulf %broadcast_in_dim3A_162, %mul3A_164 : vector<1x2048xf32>
    %exp3A_166 = math.exp %mul3A_165 : vector<1x2048xf32>
    %mul3A_167 = arith.mulf %add3A_152, %dot_general3A_158 : vector<12x2048xf32>
    %mul3A_168 = vector.broadcast %exp3A_166 : vector<1x2048xf32> to vector<12x2048xf32>
    %mul3A_169 = arith.mulf %mul3A_167, %mul3A_168 : vector<12x2048xf32>
    %convert_element_type3A_170 = arith.truncf %mul3A_169 : vector<12x2048xf32> to vector<12x2048xbf16>
    %tile3A_171 = tpu.concatenate %convert_element_type3A_170, %convert_element_type3A_170, %convert_element_type3A_170, %convert_element_type3A_170, %convert_element_type3A_170, %convert_element_type3A_170, %convert_element_type3A_170, %convert_element_type3A_170, %convert_element_type3A_170, %convert_element_type3A_170, %convert_element_type3A_170, %convert_element_type3A_170, %convert_element_type3A_170, %convert_element_type3A_170, %convert_element_type3A_170, %convert_element_type3A_170 in 0 : vector<12x2048xbf16>, vector<12x2048xbf16>, vector<12x2048xbf16>, vector<12x2048xbf16>, vector<12x2048xbf16>, vector<12x2048xbf16>, vector<12x2048xbf16>, vector<12x2048xbf16>, vector<12x2048xbf16>, vector<12x2048xbf16>, vector<12x2048xbf16>, vector<12x2048xbf16>, vector<12x2048xbf16>, vector<12x2048xbf16>, vector<12x2048xbf16>, vector<12x2048xbf16> -> vector<192x2048xbf16>
    %mul3A_172 = arith.mulf %convert_element_type3A_149, %tile3A_171 : vector<192x2048xbf16>
    %dot_general3A_173 = arith.constant dense<0.000000e+00> : vector<16x2048xf32>
    %dot_general3A_174 = tpu.matmul %convert_element_type3A_17, %mul3A_172, %dot_general3A_173 {dimension_numbers = #tpu.dot_dimension_numbers<[1], [0], [0], [1], [0, 0, 1, 1], [], []>, transpose_lhs_hint = false} : vector<16x192xbf16>, vector<192x2048xbf16>, vector<16x2048xf32> -> vector<16x2048xf32>
    %add3A_175 = arith.addf %add3A_122, %dot_general3A_174 : vector<16x2048xf32>
    %get3A_176 = arith.constant 3 : index
    %get3A_177 = arith.constant 0 : index
    %get3A_178 = arith.constant 0 : index
    %get3A_179 = vector.load %arg1[%get3A_176, %get3A_177, %get3A_178] : memref<8x16x2048xf32, #tpu.memory_space<vmem>>, vector<1x16x2048xf32>
    %get3A_180 = vector.shape_cast %get3A_179 : vector<1x16x2048xf32> to vector<16x2048xf32>
    %convert_element_type3A_181 = arith.truncf %get3A_180 : vector<16x2048xf32> to vector<16x2048xbf16>
    %dot_general3A_182 = arith.constant dense<0.000000e+00> : vector<208x2048xf32>
    %dot_general3A_183 = tpu.matmul %convert_element_type3A_5, %convert_element_type3A_181, %dot_general3A_182 {dimension_numbers = #tpu.dot_dimension_numbers<[1], [0], [0], [1], [0, 0, 1, 1], [], []>, transpose_lhs_hint = false} : vector<208x16xbf16>, vector<16x2048xbf16>, vector<208x2048xf32> -> vector<208x2048xf32>
    %slice3A_184 = vector.extract_strided_slice %dot_general3A_183 {offsets = [0, 0], sizes = [16, 2048], strides = [1, 1]} : vector<208x2048xf32> to vector<16x2048xf32>
    %sub3A_185 = arith.subf %slice3A_184, %dot_general3A_24 : vector<16x2048xf32>
    %add3A_186 = vector.broadcast %get3A_20 : vector<16x1xf32> to vector<16x2048xf32>
    %add3A_187 = arith.addf %sub3A_185, %add3A_186 : vector<16x2048xf32>
    %slice3A_188 = vector.extract_strided_slice %dot_general3A_183 {offsets = [16, 0], sizes = [192, 2048], strides = [1, 1]} : vector<208x2048xf32> to vector<192x2048xf32>
    %convert_element_type3A_189 = arith.truncf %slice3A_188 : vector<192x2048xf32> to vector<192x2048xbf16>
    %sub3A_190 = arith.subf %get3A_180, %get3A_1 : vector<16x2048xf32>
    %ge3A_191 = arith.constant 0.000000e+00 : f32
    %ge3A_192 = vector.broadcast %ge3A_191 : f32 to vector<16x2048xf32>
    %ge3A_193 = arith.cmpf oge, %add3A_187, %ge3A_192 : vector<16x2048xf32>
    %mul3A_194 = arith.constant 0.00999999977 : f32
    %mul3A_195 = vector.broadcast %mul3A_194 : f32 to vector<16x2048xf32>
    %mul3A_196 = arith.mulf %mul3A_195, %add3A_187 : vector<16x2048xf32>
    %select_n3A_197 = arith.select %ge3A_193, %add3A_187, %mul3A_196 : vector<16x2048xi1>, vector<16x2048xf32>
    %convert_element_type3A_198 = arith.truncf %select_n3A_197 : vector<16x2048xf32> to vector<16x2048xbf16>
    %dot_general3A_199 = arith.constant dense<0.000000e+00> : vector<204x2048xf32>
    %dot_general3A_200 = tpu.matmul %convert_element_type3A_9, %convert_element_type3A_198, %dot_general3A_199 {dimension_numbers = #tpu.dot_dimension_numbers<[1], [0], [0], [1], [0, 0, 1, 1], [], []>, transpose_lhs_hint = false} : vector<204x16xbf16>, vector<16x2048xbf16>, vector<204x2048xf32> -> vector<204x2048xf32>
    %slice3A_201 = vector.extract_strided_slice %dot_general3A_200 {offsets = [0, 0], sizes = [192, 2048], strides = [1, 1]} : vector<204x2048xf32> to vector<192x2048xf32>
    %convert_element_type3A_202 = arith.truncf %slice3A_201 : vector<192x2048xf32> to vector<192x2048xbf16>
    %slice3A_203 = vector.extract_strided_slice %dot_general3A_200 {offsets = [192, 0], sizes = [12, 2048], strides = [1, 1]} : vector<204x2048xf32> to vector<12x2048xf32>
    %add3A_204 = vector.broadcast %get3A_23 : vector<12x1xf32> to vector<12x2048xf32>
    %add3A_205 = arith.addf %slice3A_203, %add3A_204 : vector<12x2048xf32>
    %broadcast_in_dim3A_206 = vector.shape_cast %convert_element_type3A_198 : vector<16x2048xbf16> to vector<16x1x2048xbf16>
    %broadcast_in_dim3A_207 = vector.broadcast %broadcast_in_dim3A_206 : vector<16x1x2048xbf16> to vector<16x12x2048xbf16>
    %reshape3A_208 = vector.shape_cast %broadcast_in_dim3A_207 : vector<16x12x2048xbf16> to vector<192x2048xbf16>
    %mul3A_209 = arith.mulf %reshape3A_208, %convert_element_type3A_189 : vector<192x2048xbf16>
    %dot_general3A_210 = arith.constant dense<0.000000e+00> : vector<12x2048xf32>
    %dot_general3A_211 = tpu.matmul %convert_element_type3A_13, %mul3A_209, %dot_general3A_210 {dimension_numbers = #tpu.dot_dimension_numbers<[1], [0], [0], [1], [0, 0, 1, 1], [], []>, transpose_lhs_hint = false} : vector<12x192xbf16>, vector<192x2048xbf16>, vector<12x2048xf32> -> vector<12x2048xf32>
    %mul3A_212 = arith.mulf %sub3A_190, %sub3A_190 : vector<16x2048xf32>
    %reduce_sum3A_213 = arith.constant dense<0.000000e+00> : vector<2048xf32>
    %reduce_sum3A_214 = vector.multi_reduction <add>, %mul3A_212, %reduce_sum3A_213 [0] : vector<16x2048xf32> to vector<2048xf32>
    %broadcast_in_dim3A_215 = vector.shape_cast %reduce_sum3A_214 : vector<2048xf32> to vector<1x2048xf32>
    %mul3A_216 = arith.constant -1.000000e-01 : f32
    %mul3A_217 = vector.broadcast %mul3A_216 : f32 to vector<1x2048xf32>
    %mul3A_218 = arith.mulf %broadcast_in_dim3A_215, %mul3A_217 : vector<1x2048xf32>
    %exp3A_219 = math.exp %mul3A_218 : vector<1x2048xf32>
    %mul3A_220 = arith.mulf %add3A_205, %dot_general3A_211 : vector<12x2048xf32>
    %mul3A_221 = vector.broadcast %exp3A_219 : vector<1x2048xf32> to vector<12x2048xf32>
    %mul3A_222 = arith.mulf %mul3A_220, %mul3A_221 : vector<12x2048xf32>
    %convert_element_type3A_223 = arith.truncf %mul3A_222 : vector<12x2048xf32> to vector<12x2048xbf16>
    %tile3A_224 = tpu.concatenate %convert_element_type3A_223, %convert_element_type3A_223, %convert_element_type3A_223, %convert_element_type3A_223, %convert_element_type3A_223, %convert_element_type3A_223, %convert_element_type3A_223, %convert_element_type3A_223, %convert_element_type3A_223, %convert_element_type3A_223, %convert_element_type3A_223, %convert_element_type3A_223, %convert_element_type3A_223, %convert_element_type3A_223, %convert_element_type3A_223, %convert_element_type3A_223 in 0 : vector<12x2048xbf16>, vector<12x2048xbf16>, vector<12x2048xbf16>, vector<12x2048xbf16>, vector<12x2048xbf16>, vector<12x2048xbf16>, vector<12x2048xbf16>, vector<12x2048xbf16>, vector<12x2048xbf16>, vector<12x2048xbf16>, vector<12x2048xbf16>, vector<12x2048xbf16>, vector<12x2048xbf16>, vector<12x2048xbf16>, vector<12x2048xbf16>, vector<12x2048xbf16> -> vector<192x2048xbf16>
    %mul3A_225 = arith.mulf %convert_element_type3A_202, %tile3A_224 : vector<192x2048xbf16>
    %dot_general3A_226 = arith.constant dense<0.000000e+00> : vector<16x2048xf32>
    %dot_general3A_227 = tpu.matmul %convert_element_type3A_17, %mul3A_225, %dot_general3A_226 {dimension_numbers = #tpu.dot_dimension_numbers<[1], [0], [0], [1], [0, 0, 1, 1], [], []>, transpose_lhs_hint = false} : vector<16x192xbf16>, vector<192x2048xbf16>, vector<16x2048xf32> -> vector<16x2048xf32>
    %add3A_228 = arith.addf %add3A_175, %dot_general3A_227 : vector<16x2048xf32>
    %get3A_229 = arith.constant 4 : index
    %get3A_230 = arith.constant 0 : index
    %get3A_231 = arith.constant 0 : index
    %get3A_232 = vector.load %arg1[%get3A_229, %get3A_230, %get3A_231] : memref<8x16x2048xf32, #tpu.memory_space<vmem>>, vector<1x16x2048xf32>
    %get3A_233 = vector.shape_cast %get3A_232 : vector<1x16x2048xf32> to vector<16x2048xf32>
    %convert_element_type3A_234 = arith.truncf %get3A_233 : vector<16x2048xf32> to vector<16x2048xbf16>
    %dot_general3A_235 = arith.constant dense<0.000000e+00> : vector<208x2048xf32>
    %dot_general3A_236 = tpu.matmul %convert_element_type3A_5, %convert_element_type3A_234, %dot_general3A_235 {dimension_numbers = #tpu.dot_dimension_numbers<[1], [0], [0], [1], [0, 0, 1, 1], [], []>, transpose_lhs_hint = false} : vector<208x16xbf16>, vector<16x2048xbf16>, vector<208x2048xf32> -> vector<208x2048xf32>
    %slice3A_237 = vector.extract_strided_slice %dot_general3A_236 {offsets = [0, 0], sizes = [16, 2048], strides = [1, 1]} : vector<208x2048xf32> to vector<16x2048xf32>
    %sub3A_238 = arith.subf %slice3A_237, %dot_general3A_24 : vector<16x2048xf32>
    %add3A_239 = vector.broadcast %get3A_20 : vector<16x1xf32> to vector<16x2048xf32>
    %add3A_240 = arith.addf %sub3A_238, %add3A_239 : vector<16x2048xf32>
    %slice3A_241 = vector.extract_strided_slice %dot_general3A_236 {offsets = [16, 0], sizes = [192, 2048], strides = [1, 1]} : vector<208x2048xf32> to vector<192x2048xf32>
    %convert_element_type3A_242 = arith.truncf %slice3A_241 : vector<192x2048xf32> to vector<192x2048xbf16>
    %sub3A_243 = arith.subf %get3A_233, %get3A_1 : vector<16x2048xf32>
    %ge3A_244 = arith.constant 0.000000e+00 : f32
    %ge3A_245 = vector.broadcast %ge3A_244 : f32 to vector<16x2048xf32>
    %ge3A_246 = arith.cmpf oge, %add3A_240, %ge3A_245 : vector<16x2048xf32>
    %mul3A_247 = arith.constant 0.00999999977 : f32
    %mul3A_248 = vector.broadcast %mul3A_247 : f32 to vector<16x2048xf32>
    %mul3A_249 = arith.mulf %mul3A_248, %add3A_240 : vector<16x2048xf32>
    %select_n3A_250 = arith.select %ge3A_246, %add3A_240, %mul3A_249 : vector<16x2048xi1>, vector<16x2048xf32>
    %convert_element_type3A_251 = arith.truncf %select_n3A_250 : vector<16x2048xf32> to vector<16x2048xbf16>
    %dot_general3A_252 = arith.constant dense<0.000000e+00> : vector<204x2048xf32>
    %dot_general3A_253 = tpu.matmul %convert_element_type3A_9, %convert_element_type3A_251, %dot_general3A_252 {dimension_numbers = #tpu.dot_dimension_numbers<[1], [0], [0], [1], [0, 0, 1, 1], [], []>, transpose_lhs_hint = false} : vector<204x16xbf16>, vector<16x2048xbf16>, vector<204x2048xf32> -> vector<204x2048xf32>
    %slice3A_254 = vector.extract_strided_slice %dot_general3A_253 {offsets = [0, 0], sizes = [192, 2048], strides = [1, 1]} : vector<204x2048xf32> to vector<192x2048xf32>
    %convert_element_type3A_255 = arith.truncf %slice3A_254 : vector<192x2048xf32> to vector<192x2048xbf16>
    %slice3A_256 = vector.extract_strided_slice %dot_general3A_253 {offsets = [192, 0], sizes = [12, 2048], strides = [1, 1]} : vector<204x2048xf32> to vector<12x2048xf32>
    %add3A_257 = vector.broadcast %get3A_23 : vector<12x1xf32> to vector<12x2048xf32>
    %add3A_258 = arith.addf %slice3A_256, %add3A_257 : vector<12x2048xf32>
    %broadcast_in_dim3A_259 = vector.shape_cast %convert_element_type3A_251 : vector<16x2048xbf16> to vector<16x1x2048xbf16>
    %broadcast_in_dim3A_260 = vector.broadcast %broadcast_in_dim3A_259 : vector<16x1x2048xbf16> to vector<16x12x2048xbf16>
    %reshape3A_261 = vector.shape_cast %broadcast_in_dim3A_260 : vector<16x12x2048xbf16> to vector<192x2048xbf16>
    %mul3A_262 = arith.mulf %reshape3A_261, %convert_element_type3A_242 : vector<192x2048xbf16>
    %dot_general3A_263 = arith.constant dense<0.000000e+00> : vector<12x2048xf32>
    %dot_general3A_264 = tpu.matmul %convert_element_type3A_13, %mul3A_262, %dot_general3A_263 {dimension_numbers = #tpu.dot_dimension_numbers<[1], [0], [0], [1], [0, 0, 1, 1], [], []>, transpose_lhs_hint = false} : vector<12x192xbf16>, vector<192x2048xbf16>, vector<12x2048xf32> -> vector<12x2048xf32>
    %mul3A_265 = arith.mulf %sub3A_243, %sub3A_243 : vector<16x2048xf32>
    %reduce_sum3A_266 = arith.constant dense<0.000000e+00> : vector<2048xf32>
    %reduce_sum3A_267 = vector.multi_reduction <add>, %mul3A_265, %reduce_sum3A_266 [0] : vector<16x2048xf32> to vector<2048xf32>
    %broadcast_in_dim3A_268 = vector.shape_cast %reduce_sum3A_267 : vector<2048xf32> to vector<1x2048xf32>
    %mul3A_269 = arith.constant -1.000000e-01 : f32
    %mul3A_270 = vector.broadcast %mul3A_269 : f32 to vector<1x2048xf32>
    %mul3A_271 = arith.mulf %broadcast_in_dim3A_268, %mul3A_270 : vector<1x2048xf32>
    %exp3A_272 = math.exp %mul3A_271 : vector<1x2048xf32>
    %mul3A_273 = arith.mulf %add3A_258, %dot_general3A_264 : vector<12x2048xf32>
    %mul3A_274 = vector.broadcast %exp3A_272 : vector<1x2048xf32> to vector<12x2048xf32>
    %mul3A_275 = arith.mulf %mul3A_273, %mul3A_274 : vector<12x2048xf32>
    %convert_element_type3A_276 = arith.truncf %mul3A_275 : vector<12x2048xf32> to vector<12x2048xbf16>
    %tile3A_277 = tpu.concatenate %convert_element_type3A_276, %convert_element_type3A_276, %convert_element_type3A_276, %convert_element_type3A_276, %convert_element_type3A_276, %convert_element_type3A_276, %convert_element_type3A_276, %convert_element_type3A_276, %convert_element_type3A_276, %convert_element_type3A_276, %convert_element_type3A_276, %convert_element_type3A_276, %convert_element_type3A_276, %convert_element_type3A_276, %convert_element_type3A_276, %convert_element_type3A_276 in 0 : vector<12x2048xbf16>, vector<12x2048xbf16>, vector<12x2048xbf16>, vector<12x2048xbf16>, vector<12x2048xbf16>, vector<12x2048xbf16>, vector<12x2048xbf16>, vector<12x2048xbf16>, vector<12x2048xbf16>, vector<12x2048xbf16>, vector<12x2048xbf16>, vector<12x2048xbf16>, vector<12x2048xbf16>, vector<12x2048xbf16>, vector<12x2048xbf16>, vector<12x2048xbf16> -> vector<192x2048xbf16>
    %mul3A_278 = arith.mulf %convert_element_type3A_255, %tile3A_277 : vector<192x2048xbf16>
    %dot_general3A_279 = arith.constant dense<0.000000e+00> : vector<16x2048xf32>
    %dot_general3A_280 = tpu.matmul %convert_element_type3A_17, %mul3A_278, %dot_general3A_279 {dimension_numbers = #tpu.dot_dimension_numbers<[1], [0], [0], [1], [0, 0, 1, 1], [], []>, transpose_lhs_hint = false} : vector<16x192xbf16>, vector<192x2048xbf16>, vector<16x2048xf32> -> vector<16x2048xf32>
    %add3A_281 = arith.addf %add3A_228, %dot_general3A_280 : vector<16x2048xf32>
    %get3A_282 = arith.constant 5 : index
    %get3A_283 = arith.constant 0 : index
    %get3A_284 = arith.constant 0 : index
    %get3A_285 = vector.load %arg1[%get3A_282, %get3A_283, %get3A_284] : memref<8x16x2048xf32, #tpu.memory_space<vmem>>, vector<1x16x2048xf32>
    %get3A_286 = vector.shape_cast %get3A_285 : vector<1x16x2048xf32> to vector<16x2048xf32>
    %convert_element_type3A_287 = arith.truncf %get3A_286 : vector<16x2048xf32> to vector<16x2048xbf16>
    %dot_general3A_288 = arith.constant dense<0.000000e+00> : vector<208x2048xf32>
    %dot_general3A_289 = tpu.matmul %convert_element_type3A_5, %convert_element_type3A_287, %dot_general3A_288 {dimension_numbers = #tpu.dot_dimension_numbers<[1], [0], [0], [1], [0, 0, 1, 1], [], []>, transpose_lhs_hint = false} : vector<208x16xbf16>, vector<16x2048xbf16>, vector<208x2048xf32> -> vector<208x2048xf32>
    %slice3A_290 = vector.extract_strided_slice %dot_general3A_289 {offsets = [0, 0], sizes = [16, 2048], strides = [1, 1]} : vector<208x2048xf32> to vector<16x2048xf32>
    %sub3A_291 = arith.subf %slice3A_290, %dot_general3A_24 : vector<16x2048xf32>
    %add3A_292 = vector.broadcast %get3A_20 : vector<16x1xf32> to vector<16x2048xf32>
    %add3A_293 = arith.addf %sub3A_291, %add3A_292 : vector<16x2048xf32>
    %slice3A_294 = vector.extract_strided_slice %dot_general3A_289 {offsets = [16, 0], sizes = [192, 2048], strides = [1, 1]} : vector<208x2048xf32> to vector<192x2048xf32>
    %convert_element_type3A_295 = arith.truncf %slice3A_294 : vector<192x2048xf32> to vector<192x2048xbf16>
    %sub3A_296 = arith.subf %get3A_286, %get3A_1 : vector<16x2048xf32>
    %ge3A_297 = arith.constant 0.000000e+00 : f32
    %ge3A_298 = vector.broadcast %ge3A_297 : f32 to vector<16x2048xf32>
    %ge3A_299 = arith.cmpf oge, %add3A_293, %ge3A_298 : vector<16x2048xf32>
    %mul3A_300 = arith.constant 0.00999999977 : f32
    %mul3A_301 = vector.broadcast %mul3A_300 : f32 to vector<16x2048xf32>
    %mul3A_302 = arith.mulf %mul3A_301, %add3A_293 : vector<16x2048xf32>
    %select_n3A_303 = arith.select %ge3A_299, %add3A_293, %mul3A_302 : vector<16x2048xi1>, vector<16x2048xf32>
    %convert_element_type3A_304 = arith.truncf %select_n3A_303 : vector<16x2048xf32> to vector<16x2048xbf16>
    %dot_general3A_305 = arith.constant dense<0.000000e+00> : vector<204x2048xf32>
    %dot_general3A_306 = tpu.matmul %convert_element_type3A_9, %convert_element_type3A_304, %dot_general3A_305 {dimension_numbers = #tpu.dot_dimension_numbers<[1], [0], [0], [1], [0, 0, 1, 1], [], []>, transpose_lhs_hint = false} : vector<204x16xbf16>, vector<16x2048xbf16>, vector<204x2048xf32> -> vector<204x2048xf32>
    %slice3A_307 = vector.extract_strided_slice %dot_general3A_306 {offsets = [0, 0], sizes = [192, 2048], strides = [1, 1]} : vector<204x2048xf32> to vector<192x2048xf32>
    %convert_element_type3A_308 = arith.truncf %slice3A_307 : vector<192x2048xf32> to vector<192x2048xbf16>
    %slice3A_309 = vector.extract_strided_slice %dot_general3A_306 {offsets = [192, 0], sizes = [12, 2048], strides = [1, 1]} : vector<204x2048xf32> to vector<12x2048xf32>
    %add3A_310 = vector.broadcast %get3A_23 : vector<12x1xf32> to vector<12x2048xf32>
    %add3A_311 = arith.addf %slice3A_309, %add3A_310 : vector<12x2048xf32>
    %broadcast_in_dim3A_312 = vector.shape_cast %convert_element_type3A_304 : vector<16x2048xbf16> to vector<16x1x2048xbf16>
    %broadcast_in_dim3A_313 = vector.broadcast %broadcast_in_dim3A_312 : vector<16x1x2048xbf16> to vector<16x12x2048xbf16>
    %reshape3A_314 = vector.shape_cast %broadcast_in_dim3A_313 : vector<16x12x2048xbf16> to vector<192x2048xbf16>
    %mul3A_315 = arith.mulf %reshape3A_314, %convert_element_type3A_295 : vector<192x2048xbf16>
    %dot_general3A_316 = arith.constant dense<0.000000e+00> : vector<12x2048xf32>
    %dot_general3A_317 = tpu.matmul %convert_element_type3A_13, %mul3A_315, %dot_general3A_316 {dimension_numbers = #tpu.dot_dimension_numbers<[1], [0], [0], [1], [0, 0, 1, 1], [], []>, transpose_lhs_hint = false} : vector<12x192xbf16>, vector<192x2048xbf16>, vector<12x2048xf32> -> vector<12x2048xf32>
    %mul3A_318 = arith.mulf %sub3A_296, %sub3A_296 : vector<16x2048xf32>
    %reduce_sum3A_319 = arith.constant dense<0.000000e+00> : vector<2048xf32>
    %reduce_sum3A_320 = vector.multi_reduction <add>, %mul3A_318, %reduce_sum3A_319 [0] : vector<16x2048xf32> to vector<2048xf32>
    %broadcast_in_dim3A_321 = vector.shape_cast %reduce_sum3A_320 : vector<2048xf32> to vector<1x2048xf32>
    %mul3A_322 = arith.constant -1.000000e-01 : f32
    %mul3A_323 = vector.broadcast %mul3A_322 : f32 to vector<1x2048xf32>
    %mul3A_324 = arith.mulf %broadcast_in_dim3A_321, %mul3A_323 : vector<1x2048xf32>
    %exp3A_325 = math.exp %mul3A_324 : vector<1x2048xf32>
    %mul3A_326 = arith.mulf %add3A_311, %dot_general3A_317 : vector<12x2048xf32>
    %mul3A_327 = vector.broadcast %exp3A_325 : vector<1x2048xf32> to vector<12x2048xf32>
    %mul3A_328 = arith.mulf %mul3A_326, %mul3A_327 : vector<12x2048xf32>
    %convert_element_type3A_329 = arith.truncf %mul3A_328 : vector<12x2048xf32> to vector<12x2048xbf16>
    %tile3A_330 = tpu.concatenate %convert_element_type3A_329, %convert_element_type3A_329, %convert_element_type3A_329, %convert_element_type3A_329, %convert_element_type3A_329, %convert_element_type3A_329, %convert_element_type3A_329, %convert_element_type3A_329, %convert_element_type3A_329, %convert_element_type3A_329, %convert_element_type3A_329, %convert_element_type3A_329, %convert_element_type3A_329, %convert_element_type3A_329, %convert_element_type3A_329, %convert_element_type3A_329 in 0 : vector<12x2048xbf16>, vector<12x2048xbf16>, vector<12x2048xbf16>, vector<12x2048xbf16>, vector<12x2048xbf16>, vector<12x2048xbf16>, vector<12x2048xbf16>, vector<12x2048xbf16>, vector<12x2048xbf16>, vector<12x2048xbf16>, vector<12x2048xbf16>, vector<12x2048xbf16>, vector<12x2048xbf16>, vector<12x2048xbf16>, vector<12x2048xbf16>, vector<12x2048xbf16> -> vector<192x2048xbf16>
    %mul3A_331 = arith.mulf %convert_element_type3A_308, %tile3A_330 : vector<192x2048xbf16>
    %dot_general3A_332 = arith.constant dense<0.000000e+00> : vector<16x2048xf32>
    %dot_general3A_333 = tpu.matmul %convert_element_type3A_17, %mul3A_331, %dot_general3A_332 {dimension_numbers = #tpu.dot_dimension_numbers<[1], [0], [0], [1], [0, 0, 1, 1], [], []>, transpose_lhs_hint = false} : vector<16x192xbf16>, vector<192x2048xbf16>, vector<16x2048xf32> -> vector<16x2048xf32>
    %add3A_334 = arith.addf %add3A_281, %dot_general3A_333 : vector<16x2048xf32>
    %get3A_335 = arith.constant 6 : index
    %get3A_336 = arith.constant 0 : index
    %get3A_337 = arith.constant 0 : index
    %get3A_338 = vector.load %arg1[%get3A_335, %get3A_336, %get3A_337] : memref<8x16x2048xf32, #tpu.memory_space<vmem>>, vector<1x16x2048xf32>
    %get3A_339 = vector.shape_cast %get3A_338 : vector<1x16x2048xf32> to vector<16x2048xf32>
    %convert_element_type3A_340 = arith.truncf %get3A_339 : vector<16x2048xf32> to vector<16x2048xbf16>
    %dot_general3A_341 = arith.constant dense<0.000000e+00> : vector<208x2048xf32>
    %dot_general3A_342 = tpu.matmul %convert_element_type3A_5, %convert_element_type3A_340, %dot_general3A_341 {dimension_numbers = #tpu.dot_dimension_numbers<[1], [0], [0], [1], [0, 0, 1, 1], [], []>, transpose_lhs_hint = false} : vector<208x16xbf16>, vector<16x2048xbf16>, vector<208x2048xf32> -> vector<208x2048xf32>
    %slice3A_343 = vector.extract_strided_slice %dot_general3A_342 {offsets = [0, 0], sizes = [16, 2048], strides = [1, 1]} : vector<208x2048xf32> to vector<16x2048xf32>
    %sub3A_344 = arith.subf %slice3A_343, %dot_general3A_24 : vector<16x2048xf32>
    %add3A_345 = vector.broadcast %get3A_20 : vector<16x1xf32> to vector<16x2048xf32>
    %add3A_346 = arith.addf %sub3A_344, %add3A_345 : vector<16x2048xf32>
    %slice3A_347 = vector.extract_strided_slice %dot_general3A_342 {offsets = [16, 0], sizes = [192, 2048], strides = [1, 1]} : vector<208x2048xf32> to vector<192x2048xf32>
    %convert_element_type3A_348 = arith.truncf %slice3A_347 : vector<192x2048xf32> to vector<192x2048xbf16>
    %sub3A_349 = arith.subf %get3A_339, %get3A_1 : vector<16x2048xf32>
    %ge3A_350 = arith.constant 0.000000e+00 : f32
    %ge3A_351 = vector.broadcast %ge3A_350 : f32 to vector<16x2048xf32>
    %ge3A_352 = arith.cmpf oge, %add3A_346, %ge3A_351 : vector<16x2048xf32>
    %mul3A_353 = arith.constant 0.00999999977 : f32
    %mul3A_354 = vector.broadcast %mul3A_353 : f32 to vector<16x2048xf32>
    %mul3A_355 = arith.mulf %mul3A_354, %add3A_346 : vector<16x2048xf32>
    %select_n3A_356 = arith.select %ge3A_352, %add3A_346, %mul3A_355 : vector<16x2048xi1>, vector<16x2048xf32>
    %convert_element_type3A_357 = arith.truncf %select_n3A_356 : vector<16x2048xf32> to vector<16x2048xbf16>
    %dot_general3A_358 = arith.constant dense<0.000000e+00> : vector<204x2048xf32>
    %dot_general3A_359 = tpu.matmul %convert_element_type3A_9, %convert_element_type3A_357, %dot_general3A_358 {dimension_numbers = #tpu.dot_dimension_numbers<[1], [0], [0], [1], [0, 0, 1, 1], [], []>, transpose_lhs_hint = false} : vector<204x16xbf16>, vector<16x2048xbf16>, vector<204x2048xf32> -> vector<204x2048xf32>
    %slice3A_360 = vector.extract_strided_slice %dot_general3A_359 {offsets = [0, 0], sizes = [192, 2048], strides = [1, 1]} : vector<204x2048xf32> to vector<192x2048xf32>
    %convert_element_type3A_361 = arith.truncf %slice3A_360 : vector<192x2048xf32> to vector<192x2048xbf16>
    %slice3A_362 = vector.extract_strided_slice %dot_general3A_359 {offsets = [192, 0], sizes = [12, 2048], strides = [1, 1]} : vector<204x2048xf32> to vector<12x2048xf32>
    %add3A_363 = vector.broadcast %get3A_23 : vector<12x1xf32> to vector<12x2048xf32>
    %add3A_364 = arith.addf %slice3A_362, %add3A_363 : vector<12x2048xf32>
    %broadcast_in_dim3A_365 = vector.shape_cast %convert_element_type3A_357 : vector<16x2048xbf16> to vector<16x1x2048xbf16>
    %broadcast_in_dim3A_366 = vector.broadcast %broadcast_in_dim3A_365 : vector<16x1x2048xbf16> to vector<16x12x2048xbf16>
    %reshape3A_367 = vector.shape_cast %broadcast_in_dim3A_366 : vector<16x12x2048xbf16> to vector<192x2048xbf16>
    %mul3A_368 = arith.mulf %reshape3A_367, %convert_element_type3A_348 : vector<192x2048xbf16>
    %dot_general3A_369 = arith.constant dense<0.000000e+00> : vector<12x2048xf32>
    %dot_general3A_370 = tpu.matmul %convert_element_type3A_13, %mul3A_368, %dot_general3A_369 {dimension_numbers = #tpu.dot_dimension_numbers<[1], [0], [0], [1], [0, 0, 1, 1], [], []>, transpose_lhs_hint = false} : vector<12x192xbf16>, vector<192x2048xbf16>, vector<12x2048xf32> -> vector<12x2048xf32>
    %mul3A_371 = arith.mulf %sub3A_349, %sub3A_349 : vector<16x2048xf32>
    %reduce_sum3A_372 = arith.constant dense<0.000000e+00> : vector<2048xf32>
    %reduce_sum3A_373 = vector.multi_reduction <add>, %mul3A_371, %reduce_sum3A_372 [0] : vector<16x2048xf32> to vector<2048xf32>
    %broadcast_in_dim3A_374 = vector.shape_cast %reduce_sum3A_373 : vector<2048xf32> to vector<1x2048xf32>
    %mul3A_375 = arith.constant -1.000000e-01 : f32
    %mul3A_376 = vector.broadcast %mul3A_375 : f32 to vector<1x2048xf32>
    %mul3A_377 = arith.mulf %broadcast_in_dim3A_374, %mul3A_376 : vector<1x2048xf32>
    %exp3A_378 = math.exp %mul3A_377 : vector<1x2048xf32>
    %mul3A_379 = arith.mulf %add3A_364, %dot_general3A_370 : vector<12x2048xf32>
    %mul3A_380 = vector.broadcast %exp3A_378 : vector<1x2048xf32> to vector<12x2048xf32>
    %mul3A_381 = arith.mulf %mul3A_379, %mul3A_380 : vector<12x2048xf32>
    %convert_element_type3A_382 = arith.truncf %mul3A_381 : vector<12x2048xf32> to vector<12x2048xbf16>
    %tile3A_383 = tpu.concatenate %convert_element_type3A_382, %convert_element_type3A_382, %convert_element_type3A_382, %convert_element_type3A_382, %convert_element_type3A_382, %convert_element_type3A_382, %convert_element_type3A_382, %convert_element_type3A_382, %convert_element_type3A_382, %convert_element_type3A_382, %convert_element_type3A_382, %convert_element_type3A_382, %convert_element_type3A_382, %convert_element_type3A_382, %convert_element_type3A_382, %convert_element_type3A_382 in 0 : vector<12x2048xbf16>, vector<12x2048xbf16>, vector<12x2048xbf16>, vector<12x2048xbf16>, vector<12x2048xbf16>, vector<12x2048xbf16>, vector<12x2048xbf16>, vector<12x2048xbf16>, vector<12x2048xbf16>, vector<12x2048xbf16>, vector<12x2048xbf16>, vector<12x2048xbf16>, vector<12x2048xbf16>, vector<12x2048xbf16>, vector<12x2048xbf16>, vector<12x2048xbf16> -> vector<192x2048xbf16>
    %mul3A_384 = arith.mulf %convert_element_type3A_361, %tile3A_383 : vector<192x2048xbf16>
    %dot_general3A_385 = arith.constant dense<0.000000e+00> : vector<16x2048xf32>
    %dot_general3A_386 = tpu.matmul %convert_element_type3A_17, %mul3A_384, %dot_general3A_385 {dimension_numbers = #tpu.dot_dimension_numbers<[1], [0], [0], [1], [0, 0, 1, 1], [], []>, transpose_lhs_hint = false} : vector<16x192xbf16>, vector<192x2048xbf16>, vector<16x2048xf32> -> vector<16x2048xf32>
    %add3A_387 = arith.addf %add3A_334, %dot_general3A_386 : vector<16x2048xf32>
    %get3A_388 = arith.constant 7 : index
    %get3A_389 = arith.constant 0 : index
    %get3A_390 = arith.constant 0 : index
    %get3A_391 = vector.load %arg1[%get3A_388, %get3A_389, %get3A_390] : memref<8x16x2048xf32, #tpu.memory_space<vmem>>, vector<1x16x2048xf32>
    %get3A_392 = vector.shape_cast %get3A_391 : vector<1x16x2048xf32> to vector<16x2048xf32>
    %convert_element_type3A_393 = arith.truncf %get3A_392 : vector<16x2048xf32> to vector<16x2048xbf16>
    %dot_general3A_394 = arith.constant dense<0.000000e+00> : vector<208x2048xf32>
    %dot_general3A_395 = tpu.matmul %convert_element_type3A_5, %convert_element_type3A_393, %dot_general3A_394 {dimension_numbers = #tpu.dot_dimension_numbers<[1], [0], [0], [1], [0, 0, 1, 1], [], []>, transpose_lhs_hint = false} : vector<208x16xbf16>, vector<16x2048xbf16>, vector<208x2048xf32> -> vector<208x2048xf32>
    %slice3A_396 = vector.extract_strided_slice %dot_general3A_395 {offsets = [0, 0], sizes = [16, 2048], strides = [1, 1]} : vector<208x2048xf32> to vector<16x2048xf32>
    %sub3A_397 = arith.subf %slice3A_396, %dot_general3A_24 : vector<16x2048xf32>
    %add3A_398 = vector.broadcast %get3A_20 : vector<16x1xf32> to vector<16x2048xf32>
    %add3A_399 = arith.addf %sub3A_397, %add3A_398 : vector<16x2048xf32>
    %slice3A_400 = vector.extract_strided_slice %dot_general3A_395 {offsets = [16, 0], sizes = [192, 2048], strides = [1, 1]} : vector<208x2048xf32> to vector<192x2048xf32>
    %convert_element_type3A_401 = arith.truncf %slice3A_400 : vector<192x2048xf32> to vector<192x2048xbf16>
    %sub3A_402 = arith.subf %get3A_392, %get3A_1 : vector<16x2048xf32>
    %ge3A_403 = arith.constant 0.000000e+00 : f32
    %ge3A_404 = vector.broadcast %ge3A_403 : f32 to vector<16x2048xf32>
    %ge3A_405 = arith.cmpf oge, %add3A_399, %ge3A_404 : vector<16x2048xf32>
    %mul3A_406 = arith.constant 0.00999999977 : f32
    %mul3A_407 = vector.broadcast %mul3A_406 : f32 to vector<16x2048xf32>
    %mul3A_408 = arith.mulf %mul3A_407, %add3A_399 : vector<16x2048xf32>
    %select_n3A_409 = arith.select %ge3A_405, %add3A_399, %mul3A_408 : vector<16x2048xi1>, vector<16x2048xf32>
    %convert_element_type3A_410 = arith.truncf %select_n3A_409 : vector<16x2048xf32> to vector<16x2048xbf16>
    %dot_general3A_411 = arith.constant dense<0.000000e+00> : vector<204x2048xf32>
    %dot_general3A_412 = tpu.matmul %convert_element_type3A_9, %convert_element_type3A_410, %dot_general3A_411 {dimension_numbers = #tpu.dot_dimension_numbers<[1], [0], [0], [1], [0, 0, 1, 1], [], []>, transpose_lhs_hint = false} : vector<204x16xbf16>, vector<16x2048xbf16>, vector<204x2048xf32> -> vector<204x2048xf32>
    %slice3A_413 = vector.extract_strided_slice %dot_general3A_412 {offsets = [0, 0], sizes = [192, 2048], strides = [1, 1]} : vector<204x2048xf32> to vector<192x2048xf32>
    %convert_element_type3A_414 = arith.truncf %slice3A_413 : vector<192x2048xf32> to vector<192x2048xbf16>
    %slice3A_415 = vector.extract_strided_slice %dot_general3A_412 {offsets = [192, 0], sizes = [12, 2048], strides = [1, 1]} : vector<204x2048xf32> to vector<12x2048xf32>
    %add3A_416 = vector.broadcast %get3A_23 : vector<12x1xf32> to vector<12x2048xf32>
    %add3A_417 = arith.addf %slice3A_415, %add3A_416 : vector<12x2048xf32>
    %broadcast_in_dim3A_418 = vector.shape_cast %convert_element_type3A_410 : vector<16x2048xbf16> to vector<16x1x2048xbf16>
    %broadcast_in_dim3A_419 = vector.broadcast %broadcast_in_dim3A_418 : vector<16x1x2048xbf16> to vector<16x12x2048xbf16>
    %reshape3A_420 = vector.shape_cast %broadcast_in_dim3A_419 : vector<16x12x2048xbf16> to vector<192x2048xbf16>
    %mul3A_421 = arith.mulf %reshape3A_420, %convert_element_type3A_401 : vector<192x2048xbf16>
    %dot_general3A_422 = arith.constant dense<0.000000e+00> : vector<12x2048xf32>
    %dot_general3A_423 = tpu.matmul %convert_element_type3A_13, %mul3A_421, %dot_general3A_422 {dimension_numbers = #tpu.dot_dimension_numbers<[1], [0], [0], [1], [0, 0, 1, 1], [], []>, transpose_lhs_hint = false} : vector<12x192xbf16>, vector<192x2048xbf16>, vector<12x2048xf32> -> vector<12x2048xf32>
    %mul3A_424 = arith.mulf %sub3A_402, %sub3A_402 : vector<16x2048xf32>
    %reduce_sum3A_425 = arith.constant dense<0.000000e+00> : vector<2048xf32>
    %reduce_sum3A_426 = vector.multi_reduction <add>, %mul3A_424, %reduce_sum3A_425 [0] : vector<16x2048xf32> to vector<2048xf32>
    %broadcast_in_dim3A_427 = vector.shape_cast %reduce_sum3A_426 : vector<2048xf32> to vector<1x2048xf32>
    %mul3A_428 = arith.constant -1.000000e-01 : f32
    %mul3A_429 = vector.broadcast %mul3A_428 : f32 to vector<1x2048xf32>
    %mul3A_430 = arith.mulf %broadcast_in_dim3A_427, %mul3A_429 : vector<1x2048xf32>
    %exp3A_431 = math.exp %mul3A_430 : vector<1x2048xf32>
    %mul3A_432 = arith.mulf %add3A_417, %dot_general3A_423 : vector<12x2048xf32>
    %mul3A_433 = vector.broadcast %exp3A_431 : vector<1x2048xf32> to vector<12x2048xf32>
    %mul3A_434 = arith.mulf %mul3A_432, %mul3A_433 : vector<12x2048xf32>
    %convert_element_type3A_435 = arith.truncf %mul3A_434 : vector<12x2048xf32> to vector<12x2048xbf16>
    %tile3A_436 = tpu.concatenate %convert_element_type3A_435, %convert_element_type3A_435, %convert_element_type3A_435, %convert_element_type3A_435, %convert_element_type3A_435, %convert_element_type3A_435, %convert_element_type3A_435, %convert_element_type3A_435, %convert_element_type3A_435, %convert_element_type3A_435, %convert_element_type3A_435, %convert_element_type3A_435, %convert_element_type3A_435, %convert_element_type3A_435, %convert_element_type3A_435, %convert_element_type3A_435 in 0 : vector<12x2048xbf16>, vector<12x2048xbf16>, vector<12x2048xbf16>, vector<12x2048xbf16>, vector<12x2048xbf16>, vector<12x2048xbf16>, vector<12x2048xbf16>, vector<12x2048xbf16>, vector<12x2048xbf16>, vector<12x2048xbf16>, vector<12x2048xbf16>, vector<12x2048xbf16>, vector<12x2048xbf16>, vector<12x2048xbf16>, vector<12x2048xbf16>, vector<12x2048xbf16> -> vector<192x2048xbf16>
    %mul3A_437 = arith.mulf %convert_element_type3A_414, %tile3A_436 : vector<192x2048xbf16>
    %dot_general3A_438 = arith.constant dense<0.000000e+00> : vector<16x2048xf32>
    %dot_general3A_439 = tpu.matmul %convert_element_type3A_17, %mul3A_437, %dot_general3A_438 {dimension_numbers = #tpu.dot_dimension_numbers<[1], [0], [0], [1], [0, 0, 1, 1], [], []>, transpose_lhs_hint = false} : vector<16x192xbf16>, vector<192x2048xbf16>, vector<16x2048xf32> -> vector<16x2048xf32>
    %add3A_440 = arith.addf %add3A_387, %dot_general3A_439 : vector<16x2048xf32>
    %get3A_441 = arith.constant 0 : index
    %get3A_442 = arith.constant 0 : index
    %get3A_443 = vector.load %arg8[%get3A_441, %get3A_442] : memref<16x144xf32, #tpu.memory_space<vmem>>, vector<16x144xf32>
    %convert_element_type3A_444 = arith.truncf %get3A_443 : vector<16x144xf32> to vector<16x144xbf16>
    %mul3A_445 = arith.constant 16 : i32
    %mul3A_446 = arith.muli %arg0, %mul3A_445 : i32
    %get3A_447 = arith.constant 0 : index
    %get3A_448 = arith.index_cast %mul3A_446 : i32 to index
    %get3A_449 = arith.constant 0 : index
    %get3A_450 = vector.load %arg3[%get3A_447, %get3A_448, %get3A_449] : memref<16x130x130xf32, #tpu.memory_space<vmem>>, vector<16x18x130xf32>
    %slice3A_451 = vector.extract_strided_slice %get3A_450 {offsets = [0, 0, 0], sizes = [16, 1, 128], strides = [1, 1, 1]} : vector<16x18x130xf32> to vector<16x1x128xf32>
    %squeeze3A = vector.shape_cast %slice3A_451 : vector<16x1x128xf32> to vector<16x128xf32>
    %slice3A_452 = vector.extract_strided_slice %get3A_450 {offsets = [0, 0, 1], sizes = [16, 1, 128], strides = [1, 1, 1]} : vector<16x18x130xf32> to vector<16x1x128xf32>
    %squeeze3A_453 = vector.shape_cast %slice3A_452 : vector<16x1x128xf32> to vector<16x128xf32>
    %slice3A_454 = vector.extract_strided_slice %get3A_450 {offsets = [0, 0, 2], sizes = [16, 1, 128], strides = [1, 1, 1]} : vector<16x18x130xf32> to vector<16x1x128xf32>
    %squeeze3A_455 = vector.shape_cast %slice3A_454 : vector<16x1x128xf32> to vector<16x128xf32>
    %slice3A_456 = vector.extract_strided_slice %get3A_450 {offsets = [0, 1, 0], sizes = [16, 1, 128], strides = [1, 1, 1]} : vector<16x18x130xf32> to vector<16x1x128xf32>
    %squeeze3A_457 = vector.shape_cast %slice3A_456 : vector<16x1x128xf32> to vector<16x128xf32>
    %slice3A_458 = vector.extract_strided_slice %get3A_450 {offsets = [0, 1, 1], sizes = [16, 1, 128], strides = [1, 1, 1]} : vector<16x18x130xf32> to vector<16x1x128xf32>
    %squeeze3A_459 = vector.shape_cast %slice3A_458 : vector<16x1x128xf32> to vector<16x128xf32>
    %slice3A_460 = vector.extract_strided_slice %get3A_450 {offsets = [0, 1, 2], sizes = [16, 1, 128], strides = [1, 1, 1]} : vector<16x18x130xf32> to vector<16x1x128xf32>
    %squeeze3A_461 = vector.shape_cast %slice3A_460 : vector<16x1x128xf32> to vector<16x128xf32>
    %slice3A_462 = vector.extract_strided_slice %get3A_450 {offsets = [0, 2, 0], sizes = [16, 1, 128], strides = [1, 1, 1]} : vector<16x18x130xf32> to vector<16x1x128xf32>
    %squeeze3A_463 = vector.shape_cast %slice3A_462 : vector<16x1x128xf32> to vector<16x128xf32>
    %slice3A_464 = vector.extract_strided_slice %get3A_450 {offsets = [0, 2, 1], sizes = [16, 1, 128], strides = [1, 1, 1]} : vector<16x18x130xf32> to vector<16x1x128xf32>
    %squeeze3A_465 = vector.shape_cast %slice3A_464 : vector<16x1x128xf32> to vector<16x128xf32>
    %slice3A_466 = vector.extract_strided_slice %get3A_450 {offsets = [0, 2, 2], sizes = [16, 1, 128], strides = [1, 1, 1]} : vector<16x18x130xf32> to vector<16x1x128xf32>
    %squeeze3A_467 = vector.shape_cast %slice3A_466 : vector<16x1x128xf32> to vector<16x128xf32>
    %concatenate3A = tpu.concatenate %squeeze3A, %squeeze3A_453, %squeeze3A_455, %squeeze3A_457, %squeeze3A_459, %squeeze3A_461, %squeeze3A_463, %squeeze3A_465, %squeeze3A_467 in 0 : vector<16x128xf32>, vector<16x128xf32>, vector<16x128xf32>, vector<16x128xf32>, vector<16x128xf32>, vector<16x128xf32>, vector<16x128xf32>, vector<16x128xf32>, vector<16x128xf32> -> vector<144x128xf32>
    %convert_element_type3A_468 = arith.truncf %concatenate3A : vector<144x128xf32> to vector<144x128xbf16>
    %dot_general3A_469 = arith.constant dense<0.000000e+00> : vector<16x128xf32>
    %dot_general3A_470 = tpu.matmul %convert_element_type3A_444, %convert_element_type3A_468, %dot_general3A_469 {dimension_numbers = #tpu.dot_dimension_numbers<[1], [0], [0], [1], [0, 0, 1, 1], [], []>, transpose_lhs_hint = false} : vector<16x144xbf16>, vector<144x128xbf16>, vector<16x128xf32> -> vector<16x128xf32>
    %slice3A_471 = vector.extract_strided_slice %get3A_450 {offsets = [0, 1, 0], sizes = [16, 1, 128], strides = [1, 1, 1]} : vector<16x18x130xf32> to vector<16x1x128xf32>
    %squeeze3A_472 = vector.shape_cast %slice3A_471 : vector<16x1x128xf32> to vector<16x128xf32>
    %slice3A_473 = vector.extract_strided_slice %get3A_450 {offsets = [0, 1, 1], sizes = [16, 1, 128], strides = [1, 1, 1]} : vector<16x18x130xf32> to vector<16x1x128xf32>
    %squeeze3A_474 = vector.shape_cast %slice3A_473 : vector<16x1x128xf32> to vector<16x128xf32>
    %slice3A_475 = vector.extract_strided_slice %get3A_450 {offsets = [0, 1, 2], sizes = [16, 1, 128], strides = [1, 1, 1]} : vector<16x18x130xf32> to vector<16x1x128xf32>
    %squeeze3A_476 = vector.shape_cast %slice3A_475 : vector<16x1x128xf32> to vector<16x128xf32>
    %slice3A_477 = vector.extract_strided_slice %get3A_450 {offsets = [0, 2, 0], sizes = [16, 1, 128], strides = [1, 1, 1]} : vector<16x18x130xf32> to vector<16x1x128xf32>
    %squeeze3A_478 = vector.shape_cast %slice3A_477 : vector<16x1x128xf32> to vector<16x128xf32>
    %slice3A_479 = vector.extract_strided_slice %get3A_450 {offsets = [0, 2, 1], sizes = [16, 1, 128], strides = [1, 1, 1]} : vector<16x18x130xf32> to vector<16x1x128xf32>
    %squeeze3A_480 = vector.shape_cast %slice3A_479 : vector<16x1x128xf32> to vector<16x128xf32>
    %slice3A_481 = vector.extract_strided_slice %get3A_450 {offsets = [0, 2, 2], sizes = [16, 1, 128], strides = [1, 1, 1]} : vector<16x18x130xf32> to vector<16x1x128xf32>
    %squeeze3A_482 = vector.shape_cast %slice3A_481 : vector<16x1x128xf32> to vector<16x128xf32>
    %slice3A_483 = vector.extract_strided_slice %get3A_450 {offsets = [0, 3, 0], sizes = [16, 1, 128], strides = [1, 1, 1]} : vector<16x18x130xf32> to vector<16x1x128xf32>
    %squeeze3A_484 = vector.shape_cast %slice3A_483 : vector<16x1x128xf32> to vector<16x128xf32>
    %slice3A_485 = vector.extract_strided_slice %get3A_450 {offsets = [0, 3, 1], sizes = [16, 1, 128], strides = [1, 1, 1]} : vector<16x18x130xf32> to vector<16x1x128xf32>
    %squeeze3A_486 = vector.shape_cast %slice3A_485 : vector<16x1x128xf32> to vector<16x128xf32>
    %slice3A_487 = vector.extract_strided_slice %get3A_450 {offsets = [0, 3, 2], sizes = [16, 1, 128], strides = [1, 1, 1]} : vector<16x18x130xf32> to vector<16x1x128xf32>
    %squeeze3A_488 = vector.shape_cast %slice3A_487 : vector<16x1x128xf32> to vector<16x128xf32>
    %concatenate3A_489 = tpu.concatenate %squeeze3A_472, %squeeze3A_474, %squeeze3A_476, %squeeze3A_478, %squeeze3A_480, %squeeze3A_482, %squeeze3A_484, %squeeze3A_486, %squeeze3A_488 in 0 : vector<16x128xf32>, vector<16x128xf32>, vector<16x128xf32>, vector<16x128xf32>, vector<16x128xf32>, vector<16x128xf32>, vector<16x128xf32>, vector<16x128xf32>, vector<16x128xf32> -> vector<144x128xf32>
    %convert_element_type3A_490 = arith.truncf %concatenate3A_489 : vector<144x128xf32> to vector<144x128xbf16>
    %dot_general3A_491 = arith.constant dense<0.000000e+00> : vector<16x128xf32>
    %dot_general3A_492 = tpu.matmul %convert_element_type3A_444, %convert_element_type3A_490, %dot_general3A_491 {dimension_numbers = #tpu.dot_dimension_numbers<[1], [0], [0], [1], [0, 0, 1, 1], [], []>, transpose_lhs_hint = false} : vector<16x144xbf16>, vector<144x128xbf16>, vector<16x128xf32> -> vector<16x128xf32>
    %slice3A_493 = vector.extract_strided_slice %get3A_450 {offsets = [0, 2, 0], sizes = [16, 1, 128], strides = [1, 1, 1]} : vector<16x18x130xf32> to vector<16x1x128xf32>
    %squeeze3A_494 = vector.shape_cast %slice3A_493 : vector<16x1x128xf32> to vector<16x128xf32>
    %slice3A_495 = vector.extract_strided_slice %get3A_450 {offsets = [0, 2, 1], sizes = [16, 1, 128], strides = [1, 1, 1]} : vector<16x18x130xf32> to vector<16x1x128xf32>
    %squeeze3A_496 = vector.shape_cast %slice3A_495 : vector<16x1x128xf32> to vector<16x128xf32>
    %slice3A_497 = vector.extract_strided_slice %get3A_450 {offsets = [0, 2, 2], sizes = [16, 1, 128], strides = [1, 1, 1]} : vector<16x18x130xf32> to vector<16x1x128xf32>
    %squeeze3A_498 = vector.shape_cast %slice3A_497 : vector<16x1x128xf32> to vector<16x128xf32>
    %slice3A_499 = vector.extract_strided_slice %get3A_450 {offsets = [0, 3, 0], sizes = [16, 1, 128], strides = [1, 1, 1]} : vector<16x18x130xf32> to vector<16x1x128xf32>
    %squeeze3A_500 = vector.shape_cast %slice3A_499 : vector<16x1x128xf32> to vector<16x128xf32>
    %slice3A_501 = vector.extract_strided_slice %get3A_450 {offsets = [0, 3, 1], sizes = [16, 1, 128], strides = [1, 1, 1]} : vector<16x18x130xf32> to vector<16x1x128xf32>
    %squeeze3A_502 = vector.shape_cast %slice3A_501 : vector<16x1x128xf32> to vector<16x128xf32>
    %slice3A_503 = vector.extract_strided_slice %get3A_450 {offsets = [0, 3, 2], sizes = [16, 1, 128], strides = [1, 1, 1]} : vector<16x18x130xf32> to vector<16x1x128xf32>
    %squeeze3A_504 = vector.shape_cast %slice3A_503 : vector<16x1x128xf32> to vector<16x128xf32>
    %slice3A_505 = vector.extract_strided_slice %get3A_450 {offsets = [0, 4, 0], sizes = [16, 1, 128], strides = [1, 1, 1]} : vector<16x18x130xf32> to vector<16x1x128xf32>
    %squeeze3A_506 = vector.shape_cast %slice3A_505 : vector<16x1x128xf32> to vector<16x128xf32>
    %slice3A_507 = vector.extract_strided_slice %get3A_450 {offsets = [0, 4, 1], sizes = [16, 1, 128], strides = [1, 1, 1]} : vector<16x18x130xf32> to vector<16x1x128xf32>
    %squeeze3A_508 = vector.shape_cast %slice3A_507 : vector<16x1x128xf32> to vector<16x128xf32>
    %slice3A_509 = vector.extract_strided_slice %get3A_450 {offsets = [0, 4, 2], sizes = [16, 1, 128], strides = [1, 1, 1]} : vector<16x18x130xf32> to vector<16x1x128xf32>
    %squeeze3A_510 = vector.shape_cast %slice3A_509 : vector<16x1x128xf32> to vector<16x128xf32>
    %concatenate3A_511 = tpu.concatenate %squeeze3A_494, %squeeze3A_496, %squeeze3A_498, %squeeze3A_500, %squeeze3A_502, %squeeze3A_504, %squeeze3A_506, %squeeze3A_508, %squeeze3A_510 in 0 : vector<16x128xf32>, vector<16x128xf32>, vector<16x128xf32>, vector<16x128xf32>, vector<16x128xf32>, vector<16x128xf32>, vector<16x128xf32>, vector<16x128xf32>, vector<16x128xf32> -> vector<144x128xf32>
    %convert_element_type3A_512 = arith.truncf %concatenate3A_511 : vector<144x128xf32> to vector<144x128xbf16>
    %dot_general3A_513 = arith.constant dense<0.000000e+00> : vector<16x128xf32>
    %dot_general3A_514 = tpu.matmul %convert_element_type3A_444, %convert_element_type3A_512, %dot_general3A_513 {dimension_numbers = #tpu.dot_dimension_numbers<[1], [0], [0], [1], [0, 0, 1, 1], [], []>, transpose_lhs_hint = false} : vector<16x144xbf16>, vector<144x128xbf16>, vector<16x128xf32> -> vector<16x128xf32>
    %slice3A_515 = vector.extract_strided_slice %get3A_450 {offsets = [0, 3, 0], sizes = [16, 1, 128], strides = [1, 1, 1]} : vector<16x18x130xf32> to vector<16x1x128xf32>
    %squeeze3A_516 = vector.shape_cast %slice3A_515 : vector<16x1x128xf32> to vector<16x128xf32>
    %slice3A_517 = vector.extract_strided_slice %get3A_450 {offsets = [0, 3, 1], sizes = [16, 1, 128], strides = [1, 1, 1]} : vector<16x18x130xf32> to vector<16x1x128xf32>
    %squeeze3A_518 = vector.shape_cast %slice3A_517 : vector<16x1x128xf32> to vector<16x128xf32>
    %slice3A_519 = vector.extract_strided_slice %get3A_450 {offsets = [0, 3, 2], sizes = [16, 1, 128], strides = [1, 1, 1]} : vector<16x18x130xf32> to vector<16x1x128xf32>
    %squeeze3A_520 = vector.shape_cast %slice3A_519 : vector<16x1x128xf32> to vector<16x128xf32>
    %slice3A_521 = vector.extract_strided_slice %get3A_450 {offsets = [0, 4, 0], sizes = [16, 1, 128], strides = [1, 1, 1]} : vector<16x18x130xf32> to vector<16x1x128xf32>
    %squeeze3A_522 = vector.shape_cast %slice3A_521 : vector<16x1x128xf32> to vector<16x128xf32>
    %slice3A_523 = vector.extract_strided_slice %get3A_450 {offsets = [0, 4, 1], sizes = [16, 1, 128], strides = [1, 1, 1]} : vector<16x18x130xf32> to vector<16x1x128xf32>
    %squeeze3A_524 = vector.shape_cast %slice3A_523 : vector<16x1x128xf32> to vector<16x128xf32>
    %slice3A_525 = vector.extract_strided_slice %get3A_450 {offsets = [0, 4, 2], sizes = [16, 1, 128], strides = [1, 1, 1]} : vector<16x18x130xf32> to vector<16x1x128xf32>
    %squeeze3A_526 = vector.shape_cast %slice3A_525 : vector<16x1x128xf32> to vector<16x128xf32>
    %slice3A_527 = vector.extract_strided_slice %get3A_450 {offsets = [0, 5, 0], sizes = [16, 1, 128], strides = [1, 1, 1]} : vector<16x18x130xf32> to vector<16x1x128xf32>
    %squeeze3A_528 = vector.shape_cast %slice3A_527 : vector<16x1x128xf32> to vector<16x128xf32>
    %slice3A_529 = vector.extract_strided_slice %get3A_450 {offsets = [0, 5, 1], sizes = [16, 1, 128], strides = [1, 1, 1]} : vector<16x18x130xf32> to vector<16x1x128xf32>
    %squeeze3A_530 = vector.shape_cast %slice3A_529 : vector<16x1x128xf32> to vector<16x128xf32>
    %slice3A_531 = vector.extract_strided_slice %get3A_450 {offsets = [0, 5, 2], sizes = [16, 1, 128], strides = [1, 1, 1]} : vector<16x18x130xf32> to vector<16x1x128xf32>
    %squeeze3A_532 = vector.shape_cast %slice3A_531 : vector<16x1x128xf32> to vector<16x128xf32>
    %concatenate3A_533 = tpu.concatenate %squeeze3A_516, %squeeze3A_518, %squeeze3A_520, %squeeze3A_522, %squeeze3A_524, %squeeze3A_526, %squeeze3A_528, %squeeze3A_530, %squeeze3A_532 in 0 : vector<16x128xf32>, vector<16x128xf32>, vector<16x128xf32>, vector<16x128xf32>, vector<16x128xf32>, vector<16x128xf32>, vector<16x128xf32>, vector<16x128xf32>, vector<16x128xf32> -> vector<144x128xf32>
    %convert_element_type3A_534 = arith.truncf %concatenate3A_533 : vector<144x128xf32> to vector<144x128xbf16>
    %dot_general3A_535 = arith.constant dense<0.000000e+00> : vector<16x128xf32>
    %dot_general3A_536 = tpu.matmul %convert_element_type3A_444, %convert_element_type3A_534, %dot_general3A_535 {dimension_numbers = #tpu.dot_dimension_numbers<[1], [0], [0], [1], [0, 0, 1, 1], [], []>, transpose_lhs_hint = false} : vector<16x144xbf16>, vector<144x128xbf16>, vector<16x128xf32> -> vector<16x128xf32>
    %slice3A_537 = vector.extract_strided_slice %get3A_450 {offsets = [0, 4, 0], sizes = [16, 1, 128], strides = [1, 1, 1]} : vector<16x18x130xf32> to vector<16x1x128xf32>
    %squeeze3A_538 = vector.shape_cast %slice3A_537 : vector<16x1x128xf32> to vector<16x128xf32>
    %slice3A_539 = vector.extract_strided_slice %get3A_450 {offsets = [0, 4, 1], sizes = [16, 1, 128], strides = [1, 1, 1]} : vector<16x18x130xf32> to vector<16x1x128xf32>
    %squeeze3A_540 = vector.shape_cast %slice3A_539 : vector<16x1x128xf32> to vector<16x128xf32>
    %slice3A_541 = vector.extract_strided_slice %get3A_450 {offsets = [0, 4, 2], sizes = [16, 1, 128], strides = [1, 1, 1]} : vector<16x18x130xf32> to vector<16x1x128xf32>
    %squeeze3A_542 = vector.shape_cast %slice3A_541 : vector<16x1x128xf32> to vector<16x128xf32>
    %slice3A_543 = vector.extract_strided_slice %get3A_450 {offsets = [0, 5, 0], sizes = [16, 1, 128], strides = [1, 1, 1]} : vector<16x18x130xf32> to vector<16x1x128xf32>
    %squeeze3A_544 = vector.shape_cast %slice3A_543 : vector<16x1x128xf32> to vector<16x128xf32>
    %slice3A_545 = vector.extract_strided_slice %get3A_450 {offsets = [0, 5, 1], sizes = [16, 1, 128], strides = [1, 1, 1]} : vector<16x18x130xf32> to vector<16x1x128xf32>
    %squeeze3A_546 = vector.shape_cast %slice3A_545 : vector<16x1x128xf32> to vector<16x128xf32>
    %slice3A_547 = vector.extract_strided_slice %get3A_450 {offsets = [0, 5, 2], sizes = [16, 1, 128], strides = [1, 1, 1]} : vector<16x18x130xf32> to vector<16x1x128xf32>
    %squeeze3A_548 = vector.shape_cast %slice3A_547 : vector<16x1x128xf32> to vector<16x128xf32>
    %slice3A_549 = vector.extract_strided_slice %get3A_450 {offsets = [0, 6, 0], sizes = [16, 1, 128], strides = [1, 1, 1]} : vector<16x18x130xf32> to vector<16x1x128xf32>
    %squeeze3A_550 = vector.shape_cast %slice3A_549 : vector<16x1x128xf32> to vector<16x128xf32>
    %slice3A_551 = vector.extract_strided_slice %get3A_450 {offsets = [0, 6, 1], sizes = [16, 1, 128], strides = [1, 1, 1]} : vector<16x18x130xf32> to vector<16x1x128xf32>
    %squeeze3A_552 = vector.shape_cast %slice3A_551 : vector<16x1x128xf32> to vector<16x128xf32>
    %slice3A_553 = vector.extract_strided_slice %get3A_450 {offsets = [0, 6, 2], sizes = [16, 1, 128], strides = [1, 1, 1]} : vector<16x18x130xf32> to vector<16x1x128xf32>
    %squeeze3A_554 = vector.shape_cast %slice3A_553 : vector<16x1x128xf32> to vector<16x128xf32>
    %concatenate3A_555 = tpu.concatenate %squeeze3A_538, %squeeze3A_540, %squeeze3A_542, %squeeze3A_544, %squeeze3A_546, %squeeze3A_548, %squeeze3A_550, %squeeze3A_552, %squeeze3A_554 in 0 : vector<16x128xf32>, vector<16x128xf32>, vector<16x128xf32>, vector<16x128xf32>, vector<16x128xf32>, vector<16x128xf32>, vector<16x128xf32>, vector<16x128xf32>, vector<16x128xf32> -> vector<144x128xf32>
    %convert_element_type3A_556 = arith.truncf %concatenate3A_555 : vector<144x128xf32> to vector<144x128xbf16>
    %dot_general3A_557 = arith.constant dense<0.000000e+00> : vector<16x128xf32>
    %dot_general3A_558 = tpu.matmul %convert_element_type3A_444, %convert_element_type3A_556, %dot_general3A_557 {dimension_numbers = #tpu.dot_dimension_numbers<[1], [0], [0], [1], [0, 0, 1, 1], [], []>, transpose_lhs_hint = false} : vector<16x144xbf16>, vector<144x128xbf16>, vector<16x128xf32> -> vector<16x128xf32>
    %slice3A_559 = vector.extract_strided_slice %get3A_450 {offsets = [0, 5, 0], sizes = [16, 1, 128], strides = [1, 1, 1]} : vector<16x18x130xf32> to vector<16x1x128xf32>
    %squeeze3A_560 = vector.shape_cast %slice3A_559 : vector<16x1x128xf32> to vector<16x128xf32>
    %slice3A_561 = vector.extract_strided_slice %get3A_450 {offsets = [0, 5, 1], sizes = [16, 1, 128], strides = [1, 1, 1]} : vector<16x18x130xf32> to vector<16x1x128xf32>
    %squeeze3A_562 = vector.shape_cast %slice3A_561 : vector<16x1x128xf32> to vector<16x128xf32>
    %slice3A_563 = vector.extract_strided_slice %get3A_450 {offsets = [0, 5, 2], sizes = [16, 1, 128], strides = [1, 1, 1]} : vector<16x18x130xf32> to vector<16x1x128xf32>
    %squeeze3A_564 = vector.shape_cast %slice3A_563 : vector<16x1x128xf32> to vector<16x128xf32>
    %slice3A_565 = vector.extract_strided_slice %get3A_450 {offsets = [0, 6, 0], sizes = [16, 1, 128], strides = [1, 1, 1]} : vector<16x18x130xf32> to vector<16x1x128xf32>
    %squeeze3A_566 = vector.shape_cast %slice3A_565 : vector<16x1x128xf32> to vector<16x128xf32>
    %slice3A_567 = vector.extract_strided_slice %get3A_450 {offsets = [0, 6, 1], sizes = [16, 1, 128], strides = [1, 1, 1]} : vector<16x18x130xf32> to vector<16x1x128xf32>
    %squeeze3A_568 = vector.shape_cast %slice3A_567 : vector<16x1x128xf32> to vector<16x128xf32>
    %slice3A_569 = vector.extract_strided_slice %get3A_450 {offsets = [0, 6, 2], sizes = [16, 1, 128], strides = [1, 1, 1]} : vector<16x18x130xf32> to vector<16x1x128xf32>
    %squeeze3A_570 = vector.shape_cast %slice3A_569 : vector<16x1x128xf32> to vector<16x128xf32>
    %slice3A_571 = vector.extract_strided_slice %get3A_450 {offsets = [0, 7, 0], sizes = [16, 1, 128], strides = [1, 1, 1]} : vector<16x18x130xf32> to vector<16x1x128xf32>
    %squeeze3A_572 = vector.shape_cast %slice3A_571 : vector<16x1x128xf32> to vector<16x128xf32>
    %slice3A_573 = vector.extract_strided_slice %get3A_450 {offsets = [0, 7, 1], sizes = [16, 1, 128], strides = [1, 1, 1]} : vector<16x18x130xf32> to vector<16x1x128xf32>
    %squeeze3A_574 = vector.shape_cast %slice3A_573 : vector<16x1x128xf32> to vector<16x128xf32>
    %slice3A_575 = vector.extract_strided_slice %get3A_450 {offsets = [0, 7, 2], sizes = [16, 1, 128], strides = [1, 1, 1]} : vector<16x18x130xf32> to vector<16x1x128xf32>
    %squeeze3A_576 = vector.shape_cast %slice3A_575 : vector<16x1x128xf32> to vector<16x128xf32>
    %concatenate3A_577 = tpu.concatenate %squeeze3A_560, %squeeze3A_562, %squeeze3A_564, %squeeze3A_566, %squeeze3A_568, %squeeze3A_570, %squeeze3A_572, %squeeze3A_574, %squeeze3A_576 in 0 : vector<16x128xf32>, vector<16x128xf32>, vector<16x128xf32>, vector<16x128xf32>, vector<16x128xf32>, vector<16x128xf32>, vector<16x128xf32>, vector<16x128xf32>, vector<16x128xf32> -> vector<144x128xf32>
    %convert_element_type3A_578 = arith.truncf %concatenate3A_577 : vector<144x128xf32> to vector<144x128xbf16>
    %dot_general3A_579 = arith.constant dense<0.000000e+00> : vector<16x128xf32>
    %dot_general3A_580 = tpu.matmul %convert_element_type3A_444, %convert_element_type3A_578, %dot_general3A_579 {dimension_numbers = #tpu.dot_dimension_numbers<[1], [0], [0], [1], [0, 0, 1, 1], [], []>, transpose_lhs_hint = false} : vector<16x144xbf16>, vector<144x128xbf16>, vector<16x128xf32> -> vector<16x128xf32>
    %slice3A_581 = vector.extract_strided_slice %get3A_450 {offsets = [0, 6, 0], sizes = [16, 1, 128], strides = [1, 1, 1]} : vector<16x18x130xf32> to vector<16x1x128xf32>
    %squeeze3A_582 = vector.shape_cast %slice3A_581 : vector<16x1x128xf32> to vector<16x128xf32>
    %slice3A_583 = vector.extract_strided_slice %get3A_450 {offsets = [0, 6, 1], sizes = [16, 1, 128], strides = [1, 1, 1]} : vector<16x18x130xf32> to vector<16x1x128xf32>
    %squeeze3A_584 = vector.shape_cast %slice3A_583 : vector<16x1x128xf32> to vector<16x128xf32>
    %slice3A_585 = vector.extract_strided_slice %get3A_450 {offsets = [0, 6, 2], sizes = [16, 1, 128], strides = [1, 1, 1]} : vector<16x18x130xf32> to vector<16x1x128xf32>
    %squeeze3A_586 = vector.shape_cast %slice3A_585 : vector<16x1x128xf32> to vector<16x128xf32>
    %slice3A_587 = vector.extract_strided_slice %get3A_450 {offsets = [0, 7, 0], sizes = [16, 1, 128], strides = [1, 1, 1]} : vector<16x18x130xf32> to vector<16x1x128xf32>
    %squeeze3A_588 = vector.shape_cast %slice3A_587 : vector<16x1x128xf32> to vector<16x128xf32>
    %slice3A_589 = vector.extract_strided_slice %get3A_450 {offsets = [0, 7, 1], sizes = [16, 1, 128], strides = [1, 1, 1]} : vector<16x18x130xf32> to vector<16x1x128xf32>
    %squeeze3A_590 = vector.shape_cast %slice3A_589 : vector<16x1x128xf32> to vector<16x128xf32>
    %slice3A_591 = vector.extract_strided_slice %get3A_450 {offsets = [0, 7, 2], sizes = [16, 1, 128], strides = [1, 1, 1]} : vector<16x18x130xf32> to vector<16x1x128xf32>
    %squeeze3A_592 = vector.shape_cast %slice3A_591 : vector<16x1x128xf32> to vector<16x128xf32>
    %slice3A_593 = vector.extract_strided_slice %get3A_450 {offsets = [0, 8, 0], sizes = [16, 1, 128], strides = [1, 1, 1]} : vector<16x18x130xf32> to vector<16x1x128xf32>
    %squeeze3A_594 = vector.shape_cast %slice3A_593 : vector<16x1x128xf32> to vector<16x128xf32>
    %slice3A_595 = vector.extract_strided_slice %get3A_450 {offsets = [0, 8, 1], sizes = [16, 1, 128], strides = [1, 1, 1]} : vector<16x18x130xf32> to vector<16x1x128xf32>
    %squeeze3A_596 = vector.shape_cast %slice3A_595 : vector<16x1x128xf32> to vector<16x128xf32>
    %slice3A_597 = vector.extract_strided_slice %get3A_450 {offsets = [0, 8, 2], sizes = [16, 1, 128], strides = [1, 1, 1]} : vector<16x18x130xf32> to vector<16x1x128xf32>
    %squeeze3A_598 = vector.shape_cast %slice3A_597 : vector<16x1x128xf32> to vector<16x128xf32>
    %concatenate3A_599 = tpu.concatenate %squeeze3A_582, %squeeze3A_584, %squeeze3A_586, %squeeze3A_588, %squeeze3A_590, %squeeze3A_592, %squeeze3A_594, %squeeze3A_596, %squeeze3A_598 in 0 : vector<16x128xf32>, vector<16x128xf32>, vector<16x128xf32>, vector<16x128xf32>, vector<16x128xf32>, vector<16x128xf32>, vector<16x128xf32>, vector<16x128xf32>, vector<16x128xf32> -> vector<144x128xf32>
    %convert_element_type3A_600 = arith.truncf %concatenate3A_599 : vector<144x128xf32> to vector<144x128xbf16>
    %dot_general3A_601 = arith.constant dense<0.000000e+00> : vector<16x128xf32>
    %dot_general3A_602 = tpu.matmul %convert_element_type3A_444, %convert_element_type3A_600, %dot_general3A_601 {dimension_numbers = #tpu.dot_dimension_numbers<[1], [0], [0], [1], [0, 0, 1, 1], [], []>, transpose_lhs_hint = false} : vector<16x144xbf16>, vector<144x128xbf16>, vector<16x128xf32> -> vector<16x128xf32>
    %slice3A_603 = vector.extract_strided_slice %get3A_450 {offsets = [0, 7, 0], sizes = [16, 1, 128], strides = [1, 1, 1]} : vector<16x18x130xf32> to vector<16x1x128xf32>
    %squeeze3A_604 = vector.shape_cast %slice3A_603 : vector<16x1x128xf32> to vector<16x128xf32>
    %slice3A_605 = vector.extract_strided_slice %get3A_450 {offsets = [0, 7, 1], sizes = [16, 1, 128], strides = [1, 1, 1]} : vector<16x18x130xf32> to vector<16x1x128xf32>
    %squeeze3A_606 = vector.shape_cast %slice3A_605 : vector<16x1x128xf32> to vector<16x128xf32>
    %slice3A_607 = vector.extract_strided_slice %get3A_450 {offsets = [0, 7, 2], sizes = [16, 1, 128], strides = [1, 1, 1]} : vector<16x18x130xf32> to vector<16x1x128xf32>
    %squeeze3A_608 = vector.shape_cast %slice3A_607 : vector<16x1x128xf32> to vector<16x128xf32>
    %slice3A_609 = vector.extract_strided_slice %get3A_450 {offsets = [0, 8, 0], sizes = [16, 1, 128], strides = [1, 1, 1]} : vector<16x18x130xf32> to vector<16x1x128xf32>
    %squeeze3A_610 = vector.shape_cast %slice3A_609 : vector<16x1x128xf32> to vector<16x128xf32>
    %slice3A_611 = vector.extract_strided_slice %get3A_450 {offsets = [0, 8, 1], sizes = [16, 1, 128], strides = [1, 1, 1]} : vector<16x18x130xf32> to vector<16x1x128xf32>
    %squeeze3A_612 = vector.shape_cast %slice3A_611 : vector<16x1x128xf32> to vector<16x128xf32>
    %slice3A_613 = vector.extract_strided_slice %get3A_450 {offsets = [0, 8, 2], sizes = [16, 1, 128], strides = [1, 1, 1]} : vector<16x18x130xf32> to vector<16x1x128xf32>
    %squeeze3A_614 = vector.shape_cast %slice3A_613 : vector<16x1x128xf32> to vector<16x128xf32>
    %slice3A_615 = vector.extract_strided_slice %get3A_450 {offsets = [0, 9, 0], sizes = [16, 1, 128], strides = [1, 1, 1]} : vector<16x18x130xf32> to vector<16x1x128xf32>
    %squeeze3A_616 = vector.shape_cast %slice3A_615 : vector<16x1x128xf32> to vector<16x128xf32>
    %slice3A_617 = vector.extract_strided_slice %get3A_450 {offsets = [0, 9, 1], sizes = [16, 1, 128], strides = [1, 1, 1]} : vector<16x18x130xf32> to vector<16x1x128xf32>
    %squeeze3A_618 = vector.shape_cast %slice3A_617 : vector<16x1x128xf32> to vector<16x128xf32>
    %slice3A_619 = vector.extract_strided_slice %get3A_450 {offsets = [0, 9, 2], sizes = [16, 1, 128], strides = [1, 1, 1]} : vector<16x18x130xf32> to vector<16x1x128xf32>
    %squeeze3A_620 = vector.shape_cast %slice3A_619 : vector<16x1x128xf32> to vector<16x128xf32>
    %concatenate3A_621 = tpu.concatenate %squeeze3A_604, %squeeze3A_606, %squeeze3A_608, %squeeze3A_610, %squeeze3A_612, %squeeze3A_614, %squeeze3A_616, %squeeze3A_618, %squeeze3A_620 in 0 : vector<16x128xf32>, vector<16x128xf32>, vector<16x128xf32>, vector<16x128xf32>, vector<16x128xf32>, vector<16x128xf32>, vector<16x128xf32>, vector<16x128xf32>, vector<16x128xf32> -> vector<144x128xf32>
    %convert_element_type3A_622 = arith.truncf %concatenate3A_621 : vector<144x128xf32> to vector<144x128xbf16>
    %dot_general3A_623 = arith.constant dense<0.000000e+00> : vector<16x128xf32>
    %dot_general3A_624 = tpu.matmul %convert_element_type3A_444, %convert_element_type3A_622, %dot_general3A_623 {dimension_numbers = #tpu.dot_dimension_numbers<[1], [0], [0], [1], [0, 0, 1, 1], [], []>, transpose_lhs_hint = false} : vector<16x144xbf16>, vector<144x128xbf16>, vector<16x128xf32> -> vector<16x128xf32>
    %slice3A_625 = vector.extract_strided_slice %get3A_450 {offsets = [0, 8, 0], sizes = [16, 1, 128], strides = [1, 1, 1]} : vector<16x18x130xf32> to vector<16x1x128xf32>
    %squeeze3A_626 = vector.shape_cast %slice3A_625 : vector<16x1x128xf32> to vector<16x128xf32>
    %slice3A_627 = vector.extract_strided_slice %get3A_450 {offsets = [0, 8, 1], sizes = [16, 1, 128], strides = [1, 1, 1]} : vector<16x18x130xf32> to vector<16x1x128xf32>
    %squeeze3A_628 = vector.shape_cast %slice3A_627 : vector<16x1x128xf32> to vector<16x128xf32>
    %slice3A_629 = vector.extract_strided_slice %get3A_450 {offsets = [0, 8, 2], sizes = [16, 1, 128], strides = [1, 1, 1]} : vector<16x18x130xf32> to vector<16x1x128xf32>
    %squeeze3A_630 = vector.shape_cast %slice3A_629 : vector<16x1x128xf32> to vector<16x128xf32>
    %slice3A_631 = vector.extract_strided_slice %get3A_450 {offsets = [0, 9, 0], sizes = [16, 1, 128], strides = [1, 1, 1]} : vector<16x18x130xf32> to vector<16x1x128xf32>
    %squeeze3A_632 = vector.shape_cast %slice3A_631 : vector<16x1x128xf32> to vector<16x128xf32>
    %slice3A_633 = vector.extract_strided_slice %get3A_450 {offsets = [0, 9, 1], sizes = [16, 1, 128], strides = [1, 1, 1]} : vector<16x18x130xf32> to vector<16x1x128xf32>
    %squeeze3A_634 = vector.shape_cast %slice3A_633 : vector<16x1x128xf32> to vector<16x128xf32>
    %slice3A_635 = vector.extract_strided_slice %get3A_450 {offsets = [0, 9, 2], sizes = [16, 1, 128], strides = [1, 1, 1]} : vector<16x18x130xf32> to vector<16x1x128xf32>
    %squeeze3A_636 = vector.shape_cast %slice3A_635 : vector<16x1x128xf32> to vector<16x128xf32>
    %slice3A_637 = vector.extract_strided_slice %get3A_450 {offsets = [0, 10, 0], sizes = [16, 1, 128], strides = [1, 1, 1]} : vector<16x18x130xf32> to vector<16x1x128xf32>
    %squeeze3A_638 = vector.shape_cast %slice3A_637 : vector<16x1x128xf32> to vector<16x128xf32>
    %slice3A_639 = vector.extract_strided_slice %get3A_450 {offsets = [0, 10, 1], sizes = [16, 1, 128], strides = [1, 1, 1]} : vector<16x18x130xf32> to vector<16x1x128xf32>
    %squeeze3A_640 = vector.shape_cast %slice3A_639 : vector<16x1x128xf32> to vector<16x128xf32>
    %slice3A_641 = vector.extract_strided_slice %get3A_450 {offsets = [0, 10, 2], sizes = [16, 1, 128], strides = [1, 1, 1]} : vector<16x18x130xf32> to vector<16x1x128xf32>
    %squeeze3A_642 = vector.shape_cast %slice3A_641 : vector<16x1x128xf32> to vector<16x128xf32>
    %concatenate3A_643 = tpu.concatenate %squeeze3A_626, %squeeze3A_628, %squeeze3A_630, %squeeze3A_632, %squeeze3A_634, %squeeze3A_636, %squeeze3A_638, %squeeze3A_640, %squeeze3A_642 in 0 : vector<16x128xf32>, vector<16x128xf32>, vector<16x128xf32>, vector<16x128xf32>, vector<16x128xf32>, vector<16x128xf32>, vector<16x128xf32>, vector<16x128xf32>, vector<16x128xf32> -> vector<144x128xf32>
    %convert_element_type3A_644 = arith.truncf %concatenate3A_643 : vector<144x128xf32> to vector<144x128xbf16>
    %dot_general3A_645 = arith.constant dense<0.000000e+00> : vector<16x128xf32>
    %dot_general3A_646 = tpu.matmul %convert_element_type3A_444, %convert_element_type3A_644, %dot_general3A_645 {dimension_numbers = #tpu.dot_dimension_numbers<[1], [0], [0], [1], [0, 0, 1, 1], [], []>, transpose_lhs_hint = false} : vector<16x144xbf16>, vector<144x128xbf16>, vector<16x128xf32> -> vector<16x128xf32>
    %slice3A_647 = vector.extract_strided_slice %get3A_450 {offsets = [0, 9, 0], sizes = [16, 1, 128], strides = [1, 1, 1]} : vector<16x18x130xf32> to vector<16x1x128xf32>
    %squeeze3A_648 = vector.shape_cast %slice3A_647 : vector<16x1x128xf32> to vector<16x128xf32>
    %slice3A_649 = vector.extract_strided_slice %get3A_450 {offsets = [0, 9, 1], sizes = [16, 1, 128], strides = [1, 1, 1]} : vector<16x18x130xf32> to vector<16x1x128xf32>
    %squeeze3A_650 = vector.shape_cast %slice3A_649 : vector<16x1x128xf32> to vector<16x128xf32>
    %slice3A_651 = vector.extract_strided_slice %get3A_450 {offsets = [0, 9, 2], sizes = [16, 1, 128], strides = [1, 1, 1]} : vector<16x18x130xf32> to vector<16x1x128xf32>
    %squeeze3A_652 = vector.shape_cast %slice3A_651 : vector<16x1x128xf32> to vector<16x128xf32>
    %slice3A_653 = vector.extract_strided_slice %get3A_450 {offsets = [0, 10, 0], sizes = [16, 1, 128], strides = [1, 1, 1]} : vector<16x18x130xf32> to vector<16x1x128xf32>
    %squeeze3A_654 = vector.shape_cast %slice3A_653 : vector<16x1x128xf32> to vector<16x128xf32>
    %slice3A_655 = vector.extract_strided_slice %get3A_450 {offsets = [0, 10, 1], sizes = [16, 1, 128], strides = [1, 1, 1]} : vector<16x18x130xf32> to vector<16x1x128xf32>
    %squeeze3A_656 = vector.shape_cast %slice3A_655 : vector<16x1x128xf32> to vector<16x128xf32>
    %slice3A_657 = vector.extract_strided_slice %get3A_450 {offsets = [0, 10, 2], sizes = [16, 1, 128], strides = [1, 1, 1]} : vector<16x18x130xf32> to vector<16x1x128xf32>
    %squeeze3A_658 = vector.shape_cast %slice3A_657 : vector<16x1x128xf32> to vector<16x128xf32>
    %slice3A_659 = vector.extract_strided_slice %get3A_450 {offsets = [0, 11, 0], sizes = [16, 1, 128], strides = [1, 1, 1]} : vector<16x18x130xf32> to vector<16x1x128xf32>
    %squeeze3A_660 = vector.shape_cast %slice3A_659 : vector<16x1x128xf32> to vector<16x128xf32>
    %slice3A_661 = vector.extract_strided_slice %get3A_450 {offsets = [0, 11, 1], sizes = [16, 1, 128], strides = [1, 1, 1]} : vector<16x18x130xf32> to vector<16x1x128xf32>
    %squeeze3A_662 = vector.shape_cast %slice3A_661 : vector<16x1x128xf32> to vector<16x128xf32>
    %slice3A_663 = vector.extract_strided_slice %get3A_450 {offsets = [0, 11, 2], sizes = [16, 1, 128], strides = [1, 1, 1]} : vector<16x18x130xf32> to vector<16x1x128xf32>
    %squeeze3A_664 = vector.shape_cast %slice3A_663 : vector<16x1x128xf32> to vector<16x128xf32>
    %concatenate3A_665 = tpu.concatenate %squeeze3A_648, %squeeze3A_650, %squeeze3A_652, %squeeze3A_654, %squeeze3A_656, %squeeze3A_658, %squeeze3A_660, %squeeze3A_662, %squeeze3A_664 in 0 : vector<16x128xf32>, vector<16x128xf32>, vector<16x128xf32>, vector<16x128xf32>, vector<16x128xf32>, vector<16x128xf32>, vector<16x128xf32>, vector<16x128xf32>, vector<16x128xf32> -> vector<144x128xf32>
    %convert_element_type3A_666 = arith.truncf %concatenate3A_665 : vector<144x128xf32> to vector<144x128xbf16>
    %dot_general3A_667 = arith.constant dense<0.000000e+00> : vector<16x128xf32>
    %dot_general3A_668 = tpu.matmul %convert_element_type3A_444, %convert_element_type3A_666, %dot_general3A_667 {dimension_numbers = #tpu.dot_dimension_numbers<[1], [0], [0], [1], [0, 0, 1, 1], [], []>, transpose_lhs_hint = false} : vector<16x144xbf16>, vector<144x128xbf16>, vector<16x128xf32> -> vector<16x128xf32>
    %slice3A_669 = vector.extract_strided_slice %get3A_450 {offsets = [0, 10, 0], sizes = [16, 1, 128], strides = [1, 1, 1]} : vector<16x18x130xf32> to vector<16x1x128xf32>
    %squeeze3A_670 = vector.shape_cast %slice3A_669 : vector<16x1x128xf32> to vector<16x128xf32>
    %slice3A_671 = vector.extract_strided_slice %get3A_450 {offsets = [0, 10, 1], sizes = [16, 1, 128], strides = [1, 1, 1]} : vector<16x18x130xf32> to vector<16x1x128xf32>
    %squeeze3A_672 = vector.shape_cast %slice3A_671 : vector<16x1x128xf32> to vector<16x128xf32>
    %slice3A_673 = vector.extract_strided_slice %get3A_450 {offsets = [0, 10, 2], sizes = [16, 1, 128], strides = [1, 1, 1]} : vector<16x18x130xf32> to vector<16x1x128xf32>
    %squeeze3A_674 = vector.shape_cast %slice3A_673 : vector<16x1x128xf32> to vector<16x128xf32>
    %slice3A_675 = vector.extract_strided_slice %get3A_450 {offsets = [0, 11, 0], sizes = [16, 1, 128], strides = [1, 1, 1]} : vector<16x18x130xf32> to vector<16x1x128xf32>
    %squeeze3A_676 = vector.shape_cast %slice3A_675 : vector<16x1x128xf32> to vector<16x128xf32>
    %slice3A_677 = vector.extract_strided_slice %get3A_450 {offsets = [0, 11, 1], sizes = [16, 1, 128], strides = [1, 1, 1]} : vector<16x18x130xf32> to vector<16x1x128xf32>
    %squeeze3A_678 = vector.shape_cast %slice3A_677 : vector<16x1x128xf32> to vector<16x128xf32>
    %slice3A_679 = vector.extract_strided_slice %get3A_450 {offsets = [0, 11, 2], sizes = [16, 1, 128], strides = [1, 1, 1]} : vector<16x18x130xf32> to vector<16x1x128xf32>
    %squeeze3A_680 = vector.shape_cast %slice3A_679 : vector<16x1x128xf32> to vector<16x128xf32>
    %slice3A_681 = vector.extract_strided_slice %get3A_450 {offsets = [0, 12, 0], sizes = [16, 1, 128], strides = [1, 1, 1]} : vector<16x18x130xf32> to vector<16x1x128xf32>
    %squeeze3A_682 = vector.shape_cast %slice3A_681 : vector<16x1x128xf32> to vector<16x128xf32>
    %slice3A_683 = vector.extract_strided_slice %get3A_450 {offsets = [0, 12, 1], sizes = [16, 1, 128], strides = [1, 1, 1]} : vector<16x18x130xf32> to vector<16x1x128xf32>
    %squeeze3A_684 = vector.shape_cast %slice3A_683 : vector<16x1x128xf32> to vector<16x128xf32>
    %slice3A_685 = vector.extract_strided_slice %get3A_450 {offsets = [0, 12, 2], sizes = [16, 1, 128], strides = [1, 1, 1]} : vector<16x18x130xf32> to vector<16x1x128xf32>
    %squeeze3A_686 = vector.shape_cast %slice3A_685 : vector<16x1x128xf32> to vector<16x128xf32>
    %concatenate3A_687 = tpu.concatenate %squeeze3A_670, %squeeze3A_672, %squeeze3A_674, %squeeze3A_676, %squeeze3A_678, %squeeze3A_680, %squeeze3A_682, %squeeze3A_684, %squeeze3A_686 in 0 : vector<16x128xf32>, vector<16x128xf32>, vector<16x128xf32>, vector<16x128xf32>, vector<16x128xf32>, vector<16x128xf32>, vector<16x128xf32>, vector<16x128xf32>, vector<16x128xf32> -> vector<144x128xf32>
    %convert_element_type3A_688 = arith.truncf %concatenate3A_687 : vector<144x128xf32> to vector<144x128xbf16>
    %dot_general3A_689 = arith.constant dense<0.000000e+00> : vector<16x128xf32>
    %dot_general3A_690 = tpu.matmul %convert_element_type3A_444, %convert_element_type3A_688, %dot_general3A_689 {dimension_numbers = #tpu.dot_dimension_numbers<[1], [0], [0], [1], [0, 0, 1, 1], [], []>, transpose_lhs_hint = false} : vector<16x144xbf16>, vector<144x128xbf16>, vector<16x128xf32> -> vector<16x128xf32>
    %slice3A_691 = vector.extract_strided_slice %get3A_450 {offsets = [0, 11, 0], sizes = [16, 1, 128], strides = [1, 1, 1]} : vector<16x18x130xf32> to vector<16x1x128xf32>
    %squeeze3A_692 = vector.shape_cast %slice3A_691 : vector<16x1x128xf32> to vector<16x128xf32>
    %slice3A_693 = vector.extract_strided_slice %get3A_450 {offsets = [0, 11, 1], sizes = [16, 1, 128], strides = [1, 1, 1]} : vector<16x18x130xf32> to vector<16x1x128xf32>
    %squeeze3A_694 = vector.shape_cast %slice3A_693 : vector<16x1x128xf32> to vector<16x128xf32>
    %slice3A_695 = vector.extract_strided_slice %get3A_450 {offsets = [0, 11, 2], sizes = [16, 1, 128], strides = [1, 1, 1]} : vector<16x18x130xf32> to vector<16x1x128xf32>
    %squeeze3A_696 = vector.shape_cast %slice3A_695 : vector<16x1x128xf32> to vector<16x128xf32>
    %slice3A_697 = vector.extract_strided_slice %get3A_450 {offsets = [0, 12, 0], sizes = [16, 1, 128], strides = [1, 1, 1]} : vector<16x18x130xf32> to vector<16x1x128xf32>
    %squeeze3A_698 = vector.shape_cast %slice3A_697 : vector<16x1x128xf32> to vector<16x128xf32>
    %slice3A_699 = vector.extract_strided_slice %get3A_450 {offsets = [0, 12, 1], sizes = [16, 1, 128], strides = [1, 1, 1]} : vector<16x18x130xf32> to vector<16x1x128xf32>
    %squeeze3A_700 = vector.shape_cast %slice3A_699 : vector<16x1x128xf32> to vector<16x128xf32>
    %slice3A_701 = vector.extract_strided_slice %get3A_450 {offsets = [0, 12, 2], sizes = [16, 1, 128], strides = [1, 1, 1]} : vector<16x18x130xf32> to vector<16x1x128xf32>
    %squeeze3A_702 = vector.shape_cast %slice3A_701 : vector<16x1x128xf32> to vector<16x128xf32>
    %slice3A_703 = vector.extract_strided_slice %get3A_450 {offsets = [0, 13, 0], sizes = [16, 1, 128], strides = [1, 1, 1]} : vector<16x18x130xf32> to vector<16x1x128xf32>
    %squeeze3A_704 = vector.shape_cast %slice3A_703 : vector<16x1x128xf32> to vector<16x128xf32>
    %slice3A_705 = vector.extract_strided_slice %get3A_450 {offsets = [0, 13, 1], sizes = [16, 1, 128], strides = [1, 1, 1]} : vector<16x18x130xf32> to vector<16x1x128xf32>
    %squeeze3A_706 = vector.shape_cast %slice3A_705 : vector<16x1x128xf32> to vector<16x128xf32>
    %slice3A_707 = vector.extract_strided_slice %get3A_450 {offsets = [0, 13, 2], sizes = [16, 1, 128], strides = [1, 1, 1]} : vector<16x18x130xf32> to vector<16x1x128xf32>
    %squeeze3A_708 = vector.shape_cast %slice3A_707 : vector<16x1x128xf32> to vector<16x128xf32>
    %concatenate3A_709 = tpu.concatenate %squeeze3A_692, %squeeze3A_694, %squeeze3A_696, %squeeze3A_698, %squeeze3A_700, %squeeze3A_702, %squeeze3A_704, %squeeze3A_706, %squeeze3A_708 in 0 : vector<16x128xf32>, vector<16x128xf32>, vector<16x128xf32>, vector<16x128xf32>, vector<16x128xf32>, vector<16x128xf32>, vector<16x128xf32>, vector<16x128xf32>, vector<16x128xf32> -> vector<144x128xf32>
    %convert_element_type3A_710 = arith.truncf %concatenate3A_709 : vector<144x128xf32> to vector<144x128xbf16>
    %dot_general3A_711 = arith.constant dense<0.000000e+00> : vector<16x128xf32>
    %dot_general3A_712 = tpu.matmul %convert_element_type3A_444, %convert_element_type3A_710, %dot_general3A_711 {dimension_numbers = #tpu.dot_dimension_numbers<[1], [0], [0], [1], [0, 0, 1, 1], [], []>, transpose_lhs_hint = false} : vector<16x144xbf16>, vector<144x128xbf16>, vector<16x128xf32> -> vector<16x128xf32>
    %slice3A_713 = vector.extract_strided_slice %get3A_450 {offsets = [0, 12, 0], sizes = [16, 1, 128], strides = [1, 1, 1]} : vector<16x18x130xf32> to vector<16x1x128xf32>
    %squeeze3A_714 = vector.shape_cast %slice3A_713 : vector<16x1x128xf32> to vector<16x128xf32>
    %slice3A_715 = vector.extract_strided_slice %get3A_450 {offsets = [0, 12, 1], sizes = [16, 1, 128], strides = [1, 1, 1]} : vector<16x18x130xf32> to vector<16x1x128xf32>
    %squeeze3A_716 = vector.shape_cast %slice3A_715 : vector<16x1x128xf32> to vector<16x128xf32>
    %slice3A_717 = vector.extract_strided_slice %get3A_450 {offsets = [0, 12, 2], sizes = [16, 1, 128], strides = [1, 1, 1]} : vector<16x18x130xf32> to vector<16x1x128xf32>
    %squeeze3A_718 = vector.shape_cast %slice3A_717 : vector<16x1x128xf32> to vector<16x128xf32>
    %slice3A_719 = vector.extract_strided_slice %get3A_450 {offsets = [0, 13, 0], sizes = [16, 1, 128], strides = [1, 1, 1]} : vector<16x18x130xf32> to vector<16x1x128xf32>
    %squeeze3A_720 = vector.shape_cast %slice3A_719 : vector<16x1x128xf32> to vector<16x128xf32>
    %slice3A_721 = vector.extract_strided_slice %get3A_450 {offsets = [0, 13, 1], sizes = [16, 1, 128], strides = [1, 1, 1]} : vector<16x18x130xf32> to vector<16x1x128xf32>
    %squeeze3A_722 = vector.shape_cast %slice3A_721 : vector<16x1x128xf32> to vector<16x128xf32>
    %slice3A_723 = vector.extract_strided_slice %get3A_450 {offsets = [0, 13, 2], sizes = [16, 1, 128], strides = [1, 1, 1]} : vector<16x18x130xf32> to vector<16x1x128xf32>
    %squeeze3A_724 = vector.shape_cast %slice3A_723 : vector<16x1x128xf32> to vector<16x128xf32>
    %slice3A_725 = vector.extract_strided_slice %get3A_450 {offsets = [0, 14, 0], sizes = [16, 1, 128], strides = [1, 1, 1]} : vector<16x18x130xf32> to vector<16x1x128xf32>
    %squeeze3A_726 = vector.shape_cast %slice3A_725 : vector<16x1x128xf32> to vector<16x128xf32>
    %slice3A_727 = vector.extract_strided_slice %get3A_450 {offsets = [0, 14, 1], sizes = [16, 1, 128], strides = [1, 1, 1]} : vector<16x18x130xf32> to vector<16x1x128xf32>
    %squeeze3A_728 = vector.shape_cast %slice3A_727 : vector<16x1x128xf32> to vector<16x128xf32>
    %slice3A_729 = vector.extract_strided_slice %get3A_450 {offsets = [0, 14, 2], sizes = [16, 1, 128], strides = [1, 1, 1]} : vector<16x18x130xf32> to vector<16x1x128xf32>
    %squeeze3A_730 = vector.shape_cast %slice3A_729 : vector<16x1x128xf32> to vector<16x128xf32>
    %concatenate3A_731 = tpu.concatenate %squeeze3A_714, %squeeze3A_716, %squeeze3A_718, %squeeze3A_720, %squeeze3A_722, %squeeze3A_724, %squeeze3A_726, %squeeze3A_728, %squeeze3A_730 in 0 : vector<16x128xf32>, vector<16x128xf32>, vector<16x128xf32>, vector<16x128xf32>, vector<16x128xf32>, vector<16x128xf32>, vector<16x128xf32>, vector<16x128xf32>, vector<16x128xf32> -> vector<144x128xf32>
    %convert_element_type3A_732 = arith.truncf %concatenate3A_731 : vector<144x128xf32> to vector<144x128xbf16>
    %dot_general3A_733 = arith.constant dense<0.000000e+00> : vector<16x128xf32>
    %dot_general3A_734 = tpu.matmul %convert_element_type3A_444, %convert_element_type3A_732, %dot_general3A_733 {dimension_numbers = #tpu.dot_dimension_numbers<[1], [0], [0], [1], [0, 0, 1, 1], [], []>, transpose_lhs_hint = false} : vector<16x144xbf16>, vector<144x128xbf16>, vector<16x128xf32> -> vector<16x128xf32>
    %slice3A_735 = vector.extract_strided_slice %get3A_450 {offsets = [0, 13, 0], sizes = [16, 1, 128], strides = [1, 1, 1]} : vector<16x18x130xf32> to vector<16x1x128xf32>
    %squeeze3A_736 = vector.shape_cast %slice3A_735 : vector<16x1x128xf32> to vector<16x128xf32>
    %slice3A_737 = vector.extract_strided_slice %get3A_450 {offsets = [0, 13, 1], sizes = [16, 1, 128], strides = [1, 1, 1]} : vector<16x18x130xf32> to vector<16x1x128xf32>
    %squeeze3A_738 = vector.shape_cast %slice3A_737 : vector<16x1x128xf32> to vector<16x128xf32>
    %slice3A_739 = vector.extract_strided_slice %get3A_450 {offsets = [0, 13, 2], sizes = [16, 1, 128], strides = [1, 1, 1]} : vector<16x18x130xf32> to vector<16x1x128xf32>
    %squeeze3A_740 = vector.shape_cast %slice3A_739 : vector<16x1x128xf32> to vector<16x128xf32>
    %slice3A_741 = vector.extract_strided_slice %get3A_450 {offsets = [0, 14, 0], sizes = [16, 1, 128], strides = [1, 1, 1]} : vector<16x18x130xf32> to vector<16x1x128xf32>
    %squeeze3A_742 = vector.shape_cast %slice3A_741 : vector<16x1x128xf32> to vector<16x128xf32>
    %slice3A_743 = vector.extract_strided_slice %get3A_450 {offsets = [0, 14, 1], sizes = [16, 1, 128], strides = [1, 1, 1]} : vector<16x18x130xf32> to vector<16x1x128xf32>
    %squeeze3A_744 = vector.shape_cast %slice3A_743 : vector<16x1x128xf32> to vector<16x128xf32>
    %slice3A_745 = vector.extract_strided_slice %get3A_450 {offsets = [0, 14, 2], sizes = [16, 1, 128], strides = [1, 1, 1]} : vector<16x18x130xf32> to vector<16x1x128xf32>
    %squeeze3A_746 = vector.shape_cast %slice3A_745 : vector<16x1x128xf32> to vector<16x128xf32>
    %slice3A_747 = vector.extract_strided_slice %get3A_450 {offsets = [0, 15, 0], sizes = [16, 1, 128], strides = [1, 1, 1]} : vector<16x18x130xf32> to vector<16x1x128xf32>
    %squeeze3A_748 = vector.shape_cast %slice3A_747 : vector<16x1x128xf32> to vector<16x128xf32>
    %slice3A_749 = vector.extract_strided_slice %get3A_450 {offsets = [0, 15, 1], sizes = [16, 1, 128], strides = [1, 1, 1]} : vector<16x18x130xf32> to vector<16x1x128xf32>
    %squeeze3A_750 = vector.shape_cast %slice3A_749 : vector<16x1x128xf32> to vector<16x128xf32>
    %slice3A_751 = vector.extract_strided_slice %get3A_450 {offsets = [0, 15, 2], sizes = [16, 1, 128], strides = [1, 1, 1]} : vector<16x18x130xf32> to vector<16x1x128xf32>
    %squeeze3A_752 = vector.shape_cast %slice3A_751 : vector<16x1x128xf32> to vector<16x128xf32>
    %concatenate3A_753 = tpu.concatenate %squeeze3A_736, %squeeze3A_738, %squeeze3A_740, %squeeze3A_742, %squeeze3A_744, %squeeze3A_746, %squeeze3A_748, %squeeze3A_750, %squeeze3A_752 in 0 : vector<16x128xf32>, vector<16x128xf32>, vector<16x128xf32>, vector<16x128xf32>, vector<16x128xf32>, vector<16x128xf32>, vector<16x128xf32>, vector<16x128xf32>, vector<16x128xf32> -> vector<144x128xf32>
    %convert_element_type3A_754 = arith.truncf %concatenate3A_753 : vector<144x128xf32> to vector<144x128xbf16>
    %dot_general3A_755 = arith.constant dense<0.000000e+00> : vector<16x128xf32>
    %dot_general3A_756 = tpu.matmul %convert_element_type3A_444, %convert_element_type3A_754, %dot_general3A_755 {dimension_numbers = #tpu.dot_dimension_numbers<[1], [0], [0], [1], [0, 0, 1, 1], [], []>, transpose_lhs_hint = false} : vector<16x144xbf16>, vector<144x128xbf16>, vector<16x128xf32> -> vector<16x128xf32>
    %slice3A_757 = vector.extract_strided_slice %get3A_450 {offsets = [0, 14, 0], sizes = [16, 1, 128], strides = [1, 1, 1]} : vector<16x18x130xf32> to vector<16x1x128xf32>
    %squeeze3A_758 = vector.shape_cast %slice3A_757 : vector<16x1x128xf32> to vector<16x128xf32>
    %slice3A_759 = vector.extract_strided_slice %get3A_450 {offsets = [0, 14, 1], sizes = [16, 1, 128], strides = [1, 1, 1]} : vector<16x18x130xf32> to vector<16x1x128xf32>
    %squeeze3A_760 = vector.shape_cast %slice3A_759 : vector<16x1x128xf32> to vector<16x128xf32>
    %slice3A_761 = vector.extract_strided_slice %get3A_450 {offsets = [0, 14, 2], sizes = [16, 1, 128], strides = [1, 1, 1]} : vector<16x18x130xf32> to vector<16x1x128xf32>
    %squeeze3A_762 = vector.shape_cast %slice3A_761 : vector<16x1x128xf32> to vector<16x128xf32>
    %slice3A_763 = vector.extract_strided_slice %get3A_450 {offsets = [0, 15, 0], sizes = [16, 1, 128], strides = [1, 1, 1]} : vector<16x18x130xf32> to vector<16x1x128xf32>
    %squeeze3A_764 = vector.shape_cast %slice3A_763 : vector<16x1x128xf32> to vector<16x128xf32>
    %slice3A_765 = vector.extract_strided_slice %get3A_450 {offsets = [0, 15, 1], sizes = [16, 1, 128], strides = [1, 1, 1]} : vector<16x18x130xf32> to vector<16x1x128xf32>
    %squeeze3A_766 = vector.shape_cast %slice3A_765 : vector<16x1x128xf32> to vector<16x128xf32>
    %slice3A_767 = vector.extract_strided_slice %get3A_450 {offsets = [0, 15, 2], sizes = [16, 1, 128], strides = [1, 1, 1]} : vector<16x18x130xf32> to vector<16x1x128xf32>
    %squeeze3A_768 = vector.shape_cast %slice3A_767 : vector<16x1x128xf32> to vector<16x128xf32>
    %slice3A_769 = vector.extract_strided_slice %get3A_450 {offsets = [0, 16, 0], sizes = [16, 1, 128], strides = [1, 1, 1]} : vector<16x18x130xf32> to vector<16x1x128xf32>
    %squeeze3A_770 = vector.shape_cast %slice3A_769 : vector<16x1x128xf32> to vector<16x128xf32>
    %slice3A_771 = vector.extract_strided_slice %get3A_450 {offsets = [0, 16, 1], sizes = [16, 1, 128], strides = [1, 1, 1]} : vector<16x18x130xf32> to vector<16x1x128xf32>
    %squeeze3A_772 = vector.shape_cast %slice3A_771 : vector<16x1x128xf32> to vector<16x128xf32>
    %slice3A_773 = vector.extract_strided_slice %get3A_450 {offsets = [0, 16, 2], sizes = [16, 1, 128], strides = [1, 1, 1]} : vector<16x18x130xf32> to vector<16x1x128xf32>
    %squeeze3A_774 = vector.shape_cast %slice3A_773 : vector<16x1x128xf32> to vector<16x128xf32>
    %concatenate3A_775 = tpu.concatenate %squeeze3A_758, %squeeze3A_760, %squeeze3A_762, %squeeze3A_764, %squeeze3A_766, %squeeze3A_768, %squeeze3A_770, %squeeze3A_772, %squeeze3A_774 in 0 : vector<16x128xf32>, vector<16x128xf32>, vector<16x128xf32>, vector<16x128xf32>, vector<16x128xf32>, vector<16x128xf32>, vector<16x128xf32>, vector<16x128xf32>, vector<16x128xf32> -> vector<144x128xf32>
    %convert_element_type3A_776 = arith.truncf %concatenate3A_775 : vector<144x128xf32> to vector<144x128xbf16>
    %dot_general3A_777 = arith.constant dense<0.000000e+00> : vector<16x128xf32>
    %dot_general3A_778 = tpu.matmul %convert_element_type3A_444, %convert_element_type3A_776, %dot_general3A_777 {dimension_numbers = #tpu.dot_dimension_numbers<[1], [0], [0], [1], [0, 0, 1, 1], [], []>, transpose_lhs_hint = false} : vector<16x144xbf16>, vector<144x128xbf16>, vector<16x128xf32> -> vector<16x128xf32>
    %slice3A_779 = vector.extract_strided_slice %get3A_450 {offsets = [0, 15, 0], sizes = [16, 1, 128], strides = [1, 1, 1]} : vector<16x18x130xf32> to vector<16x1x128xf32>
    %squeeze3A_780 = vector.shape_cast %slice3A_779 : vector<16x1x128xf32> to vector<16x128xf32>
    %slice3A_781 = vector.extract_strided_slice %get3A_450 {offsets = [0, 15, 1], sizes = [16, 1, 128], strides = [1, 1, 1]} : vector<16x18x130xf32> to vector<16x1x128xf32>
    %squeeze3A_782 = vector.shape_cast %slice3A_781 : vector<16x1x128xf32> to vector<16x128xf32>
    %slice3A_783 = vector.extract_strided_slice %get3A_450 {offsets = [0, 15, 2], sizes = [16, 1, 128], strides = [1, 1, 1]} : vector<16x18x130xf32> to vector<16x1x128xf32>
    %squeeze3A_784 = vector.shape_cast %slice3A_783 : vector<16x1x128xf32> to vector<16x128xf32>
    %slice3A_785 = vector.extract_strided_slice %get3A_450 {offsets = [0, 16, 0], sizes = [16, 1, 128], strides = [1, 1, 1]} : vector<16x18x130xf32> to vector<16x1x128xf32>
    %squeeze3A_786 = vector.shape_cast %slice3A_785 : vector<16x1x128xf32> to vector<16x128xf32>
    %slice3A_787 = vector.extract_strided_slice %get3A_450 {offsets = [0, 16, 1], sizes = [16, 1, 128], strides = [1, 1, 1]} : vector<16x18x130xf32> to vector<16x1x128xf32>
    %squeeze3A_788 = vector.shape_cast %slice3A_787 : vector<16x1x128xf32> to vector<16x128xf32>
    %slice3A_789 = vector.extract_strided_slice %get3A_450 {offsets = [0, 16, 2], sizes = [16, 1, 128], strides = [1, 1, 1]} : vector<16x18x130xf32> to vector<16x1x128xf32>
    %squeeze3A_790 = vector.shape_cast %slice3A_789 : vector<16x1x128xf32> to vector<16x128xf32>
    %slice3A_791 = vector.extract_strided_slice %get3A_450 {offsets = [0, 17, 0], sizes = [16, 1, 128], strides = [1, 1, 1]} : vector<16x18x130xf32> to vector<16x1x128xf32>
    %squeeze3A_792 = vector.shape_cast %slice3A_791 : vector<16x1x128xf32> to vector<16x128xf32>
    %slice3A_793 = vector.extract_strided_slice %get3A_450 {offsets = [0, 17, 1], sizes = [16, 1, 128], strides = [1, 1, 1]} : vector<16x18x130xf32> to vector<16x1x128xf32>
    %squeeze3A_794 = vector.shape_cast %slice3A_793 : vector<16x1x128xf32> to vector<16x128xf32>
    %slice3A_795 = vector.extract_strided_slice %get3A_450 {offsets = [0, 17, 2], sizes = [16, 1, 128], strides = [1, 1, 1]} : vector<16x18x130xf32> to vector<16x1x128xf32>
    %squeeze3A_796 = vector.shape_cast %slice3A_795 : vector<16x1x128xf32> to vector<16x128xf32>
    %concatenate3A_797 = tpu.concatenate %squeeze3A_780, %squeeze3A_782, %squeeze3A_784, %squeeze3A_786, %squeeze3A_788, %squeeze3A_790, %squeeze3A_792, %squeeze3A_794, %squeeze3A_796 in 0 : vector<16x128xf32>, vector<16x128xf32>, vector<16x128xf32>, vector<16x128xf32>, vector<16x128xf32>, vector<16x128xf32>, vector<16x128xf32>, vector<16x128xf32>, vector<16x128xf32> -> vector<144x128xf32>
    %convert_element_type3A_798 = arith.truncf %concatenate3A_797 : vector<144x128xf32> to vector<144x128xbf16>
    %dot_general3A_799 = arith.constant dense<0.000000e+00> : vector<16x128xf32>
    %dot_general3A_800 = tpu.matmul %convert_element_type3A_444, %convert_element_type3A_798, %dot_general3A_799 {dimension_numbers = #tpu.dot_dimension_numbers<[1], [0], [0], [1], [0, 0, 1, 1], [], []>, transpose_lhs_hint = false} : vector<16x144xbf16>, vector<144x128xbf16>, vector<16x128xf32> -> vector<16x128xf32>
    %concatenate3A_801 = tpu.concatenate %dot_general3A_470, %dot_general3A_492, %dot_general3A_514, %dot_general3A_536, %dot_general3A_558, %dot_general3A_580, %dot_general3A_602, %dot_general3A_624, %dot_general3A_646, %dot_general3A_668, %dot_general3A_690, %dot_general3A_712, %dot_general3A_734, %dot_general3A_756, %dot_general3A_778, %dot_general3A_800 in 1 : vector<16x128xf32>, vector<16x128xf32>, vector<16x128xf32>, vector<16x128xf32>, vector<16x128xf32>, vector<16x128xf32>, vector<16x128xf32>, vector<16x128xf32>, vector<16x128xf32>, vector<16x128xf32>, vector<16x128xf32>, vector<16x128xf32>, vector<16x128xf32>, vector<16x128xf32>, vector<16x128xf32>, vector<16x128xf32> -> vector<16x2048xf32>
    %add3A_802 = arith.addf %add3A_440, %concatenate3A_801 : vector<16x2048xf32>
    %get3A_803 = arith.constant 0 : index
    %get3A_804 = arith.constant 0 : index
    %get3A_805 = vector.load %arg11[%get3A_803, %get3A_804] : memref<16x1xf32, #tpu.memory_space<vmem>>, vector<16x1xf32>
    %add3A_806 = vector.broadcast %get3A_805 : vector<16x1xf32> to vector<16x2048xf32>
    %add3A_807 = arith.addf %add3A_802, %add3A_806 : vector<16x2048xf32>
    %swap3A = arith.constant 0 : index
    %swap3A_808 = arith.constant 0 : index
    %swap3A_809 = vector.load %arg12[%swap3A, %swap3A_808] : memref<16x2048xf32, #tpu.memory_space<vmem>>, vector<16x2048xf32>
    tpu.vector_store %arg12[%swap3A, %swap3A_808], %add3A_807 {strides = array<i32>} : memref<16x2048xf32, #tpu.memory_space<vmem>>, vector<16x2048xf32>,
    return
  }
  func.func @transform_0(%arg0: i32) -> (i32, i32, i32) {
    %c0_i32 = arith.constant 0 : i32
    %c0_i32_0 = arith.constant 0 : i32
    %c0_i32_1 = arith.constant 0 : i32
    return %c0_i32, %c0_i32_0, %arg0 : i32, i32, i32
  }
  func.func @transform_1(%arg0: i32) -> (i32, i32) {
    %c0_i32 = arith.constant 0 : i32
    %c0_i32_0 = arith.constant 0 : i32
    return %c0_i32, %arg0 : i32, i32
  }
  func.func @transform_2(%arg0: i32) -> (i32, i32, i32) {
    %c0_i32 = arith.constant 0 : i32
    %c0_i32_0 = arith.constant 0 : i32
    %c0_i32_1 = arith.constant 0 : i32
    %c0_i32_2 = arith.constant 0 : i32
    return %c0_i32, %c0_i32_0, %c0_i32_1 : i32, i32, i32
  }
  func.func @transform_3(%arg0: i32) -> (i32, i32) {
    %c0_i32 = arith.constant 0 : i32
    %c0_i32_0 = arith.constant 0 : i32
    %c0_i32_1 = arith.constant 0 : i32
    return %c0_i32, %c0_i32_0 : i32, i32
  }
  func.func @transform_4(%arg0: i32) -> (i32, i32) {
    %c0_i32 = arith.constant 0 : i32
    %c0_i32_0 = arith.constant 0 : i32
    %c0_i32_1 = arith.constant 0 : i32
    return %c0_i32, %c0_i32_0 : i32, i32
  }
  func.func @transform_5(%arg0: i32) -> (i32, i32) {
    %c0_i32 = arith.constant 0 : i32
    %c0_i32_0 = arith.constant 0 : i32
    %c0_i32_1 = arith.constant 0 : i32
    return %c0_i32, %c0_i32_0 : i32, i32
  }
  func.func @transform_6(%arg0: i32) -> (i32, i32) {
    %c0_i32 = arith.constant 0 : i32
    %c0_i32_0 = arith.constant 0 : i32
    %c0_i32_1 = arith.constant 0 : i32
    return %c0_i32, %c0_i32_0 : i32, i32
  }
  func.func @transform_7(%arg0: i32) -> (i32, i32) {
    %c0_i32 = arith.constant 0 : i32
    %c0_i32_0 = arith.constant 0 : i32
    %c0_i32_1 = arith.constant 0 : i32
    return %c0_i32, %c0_i32_0 : i32, i32
  }
  func.func @transform_8(%arg0: i32) -> (i32, i32) {
    %c0_i32 = arith.constant 0 : i32
    %c0_i32_0 = arith.constant 0 : i32
    %c0_i32_1 = arith.constant 0 : i32
    return %c0_i32, %c0_i32_0 : i32, i32
  }
  func.func @transform_9(%arg0: i32) -> (i32, i32) {
    %c0_i32 = arith.constant 0 : i32
    %c0_i32_0 = arith.constant 0 : i32
    %c0_i32_1 = arith.constant 0 : i32
    return %c0_i32, %c0_i32_0 : i32, i32
  }
  func.func @transform_10(%arg0: i32) -> (i32, i32) {
    %c0_i32 = arith.constant 0 : i32
    %c0_i32_0 = arith.constant 0 : i32
    %c0_i32_1 = arith.constant 0 : i32
    return %c0_i32, %c0_i32_0 : i32, i32
  }
  func.func @transform_11(%arg0: i32) -> (i32, i32) {
    %c0_i32 = arith.constant 0 : i32
    %c0_i32_0 = arith.constant 0 : i32
    return %c0_i32, %arg0 : i32, i32
  }
}

</mosaic_0001>

<sc_bundles>
// kernel: kernel.4.cloned.1.call-start
scs
__scs_entry_jumppad:
0x0: {  	(pc) =	sbr.rel $0x88, $3  }
0x1: {  	(tag) =	ssettag $0x0;
	lr =	simm.s32 $0x1  }
0x2: {  	[smem:$0x3F97] =	sst lr;
	_ =	strace $0xD0000000  }
0x3: {  	_ = 	snop  }
0x4: {  	_ = 	snop  }
0x5: {  	_ = 	snop  }
0x6: {  	_ = 	snop  }
0x7: {  	_ = 	snop  }
__scs_overlays_trampoline_lowered:
0x8: {  	[smem:$0x3FA6] =	sst s0  }
0x9: {  	[smem:$0x3FA7] =	sst s1  }
0xa: {  	[smem:$0x3FA8] =	sst s2  }
0xb: {  	[smem:$0x3FA9] =	sst s3  }
0xc: {  	[smem:$0x3FAA] =	sst s4  }
0xd: {  	[smem:$0x3FAB] =	sst s5  }
0xe: {  	[smem:$0x3FAC] =	sst s6  }
0xf: {  	[smem:$0x3FAD] =	sst s7  }
0x10: {  	[smem:$0x3FAE] =	sst s8  }
0x11: {  	[smem:$0x3FAF] =	sst s9;
	s0 =	simm.s32 @!p0 $0x0  }
0x12: {  	s1 =	sld [smem:$0x3F95];
	s0 =	simm.s32 @p0 $0x1  }
0x13: {  	[smem:$0x3FB0] =	sst s0;
	s0 =	simm.s32 @!p1 $0x0  }
0x14: {  	s2 =	sld [smem:$0x3F94];
	s0 =	simm.s32 @p1 $0x1  }
0x15: {  	[smem:$0x3FB1] =	sst s0;
	s0 =	simm.s32 @!p2 $0x0  }
0x16: {  	s3 =	sld [smem:$0x3FDB];
	s0 =	simm.s32 @p2 $0x1  }
0x17: {  	s4 =	simm.s32 $0x1BF5;
	[smem:$0x3FB3] =	sst s0  }
0x18: {  	s0 =	sld [smem:$0x3F96];
	_ =	swait.ge [sflag:s4], $0x0  }
0x19: {  	s7 =	sld [smem:$0x3F97]  }
0x1a: {  	s8 =	sadd.s32 $0xFFFFE003, lr  }
0x1b: {  	s9 =	sadd.s32 $0xFFFFFEF7, lr;
	s5 =	simm.s32 $0xFFFFFFFF;
	p2 =	slt.u32 s8, $0xFFFFF086  }
0x1c: {  	p1 =	slt.u32 s9, $0xF7A;
	s5 =	simm.s32 @!p2 $0x0  }
0x1d: {  	s5 =	simm.s32 @p1 $0x1;
	p0 =	seq.s32 s7, s2  }
0x1e: {  	s7 =	smul.u32 @!p0 $0xF7A, s2;
	p2 =	seq.s32 @!p0 s5, $0x0  }
0x1f: {  	s9 =	smul.u32 $0xF7A, s1;
	s8 =	simm.s32 @!p0 $0x1BF5;
	p2 =	por !p2, p0  }
0x20: {  	[sflag:s8] =	ssyncset.s32 @!p0 $0xFFFFF086;
	s6 =	sadd.s32 @!p0 s3, s7;
	s7 =	simm.s32 @!p0 $0x108  }
0x21: {  	s3 =	sadd.s32 s3, s9;
	s6 =	sadd.s32 @!p0 $0x88, s6;
	s7 =	simm.s32 @p2 $0x1082  }
0x22: {  	[simem:s7], [sflag:s8] =	dma.local @!p0 [hbm:s6], $0xF7A  }
0x23: {  	s9 =	sor.u32 $0xD0000000, s2;
	s6 =	simm.s32 $0x108;
	_ =	swait.ge @!p0 [sflag:s8], $0x0  }
0x24: {  	s3 =	sadd.s32 $0x88, s3;
	s6 =	simm.s32 @!p1 $0x1082;
	[sflag:s4] =	ssyncset.s32 $0xFFFFF086  }
0x25: {  	[simem:s6], [sflag:s4] =	dma.local [hbm:s3], $0xF7A  }
0x26: {  	[smem:$0x3F97] =	sst s1;
	(tag) =	ssettag s2;
	_ =	strace s9  }
0x27: {  	s1 =	sld [smem:$0x3FA7]  }
0x28: {  	s2 =	sld [smem:$0x3FA8]  }
0x29: {  	s4 =	sld [smem:$0x3FAA]  }
0x2a: {  	p0 =	seq.s32 s5, $0x0;
	s5 =	sld [smem:$0x3FAB]  }
0x2b: {  	s6 =	sld [smem:$0x3FAC]  }
0x2c: {  	s7 =	sld [smem:$0x3FAD]  }
0x2d: {  	s3 =	simm.s32 $0x108;
	s8 =	sld [smem:$0x3FAE]  }
0x2e: {  	s3 =	simm.s32 @!p0 $0x1082;
	s9 =	sld [smem:$0x3FAF]  }
0x2f: {  	lr =	sadd.s32 s0, s3;
	s0 =	sld [smem:$0x3FA6]  }
0x30: {  	s3 =	sld [smem:$0x3FA9]  }
0x31: {  	[smem:$0x3FB2] =	sst s10  }
0x32: {  	s10 =	sld [smem:$0x3FB0];
	_ =	sdelay $0x3  }
0x33: {  	p0 =	seq.s32 s10, $0x1;
	s10 =	sld [smem:$0x3FB2];
	_ =	sdelay $0x3  }
0x34: {  	[smem:$0x3FB2] =	sst s10  }
0x35: {  	s10 =	sld [smem:$0x3FB1];
	_ =	sdelay $0x3  }
0x36: {  	p1 =	seq.s32 s10, $0x1;
	s10 =	sld [smem:$0x3FB2];
	_ =	sdelay $0x3  }
0x37: {  	[smem:$0x3FB2] =	sst s10  }
0x38: {  	s10 =	sld [smem:$0x3FB3]  }
0x39: {  	_ = 	snop;
	(pc) =	sbr.ind lr, $3  }
0x3a: {  	_ = 	snop  }
0x3b: {  	_ = 	snop  }
0x3c: {  	p2 =	seq.s32 s10, $0x1;
	s10 =	sld [smem:$0x3FB2]  }
0x3d: {  	_ =	shalt  }
0x3e: {  	_ =	shalt  }
0x3f: {  	_ =	shalt  }
0x40: {  	_ =	shalt  }
0x41: {  	_ =	shalt  }
0x42: {  	_ =	shalt  }
0x43: {  	_ =	shalt  }
0x44: {  	_ =	shalt  }
0x45: {  	_ =	shalt  }
0x46: {  	_ =	shalt  }
0x47: {  	_ =	shalt  }
0x48: {  	_ =	shalt  }
0x49: {  	_ =	shalt  }
0x4a: {  	_ =	shalt  }
0x4b: {  	_ =	shalt  }
0x4c: {  	_ =	shalt  }
0x4d: {  	_ =	shalt  }
0x4e: {  	_ =	shalt  }
0x4f: {  	_ =	shalt  }
0x50: {  	_ =	shalt  }
0x51: {  	_ =	shalt  }
0x52: {  	_ =	shalt  }
0x53: {  	_ =	shalt  }
0x54: {  	_ =	shalt  }
0x55: {  	_ =	shalt  }
0x56: {  	_ =	shalt  }
0x57: {  	_ =	shalt  }
0x58: {  	_ =	shalt  }
0x59: {  	_ =	shalt  }
0x5a: {  	_ =	shalt  }
0x5b: {  	_ =	shalt  }
0x5c: {  	_ =	shalt  }
0x5d: {  	_ =	shalt  }
0x5e: {  	_ =	shalt  }
0x5f: {  	_ =	shalt  }
0x60: {  	_ =	shalt  }
0x61: {  	_ =	shalt  }
0x62: {  	_ =	shalt  }
0x63: {  	_ =	shalt  }
0x64: {  	_ =	shalt  }
0x65: {  	_ =	shalt  }
0x66: {  	_ =	shalt  }
0x67: {  	_ =	shalt  }
0x68: {  	_ =	shalt  }
0x69: {  	_ =	shalt  }
0x6a: {  	_ =	shalt  }
0x6b: {  	_ =	shalt  }
0x6c: {  	_ =	shalt  }
0x6d: {  	_ =	shalt  }
0x6e: {  	_ =	shalt  }
0x6f: {  	_ =	shalt  }
0x70: {  	_ =	shalt  }
0x71: {  	_ =	shalt  }
0x72: {  	_ =	shalt  }
0x73: {  	_ =	shalt  }
0x74: {  	_ =	shalt  }
0x75: {  	_ =	shalt  }
0x76: {  	_ =	shalt  }
0x77: {  	_ =	shalt  }
0x78: {  	_ =	shalt  }
0x79: {  	_ =	shalt  }
0x7a: {  	_ =	shalt  }
0x7b: {  	_ =	shalt  }
0x7c: {  	_ =	shalt  }
0x7d: {  	_ =	shalt  }
0x7e: {  	_ =	shalt  }
0x7f: {  	_ =	shalt  }
0x80: {  	_ =	shalt  }
0x81: {  	_ =	shalt  }
0x82: {  	_ =	shalt  }
0x83: {  	_ =	shalt  }
0x84: {  	_ =	shalt  }
0x85: {  	_ =	shalt  }
0x86: {  	_ =	shalt  }
0x87: {  	_ =	shalt  }
.Lfunc_end0:
.L_simem_size_0:
called_computation_lowered:
.L_overlay_start_0:
0x88: {  	s2 =	sld [smem:$0x3FD9]  }
0x89: {  	s3 =	sld [smem:$0x3FFE];
	_ =	sdelay $0x1  }
0x8a: {  	s1 =	srdreg.scid  }
0x8b: {  	s0 =	sand.u32 $0x1, s1  }
0x8c: {  	s17 =	sshll.u32 s0, $0xA;
	s2 =	sadd.s32 s3, s2  }
0x8d: {  	s2 =	sadd.s32 s2, s17  }
0x8e: {  	[smem:$0x3FBE] =	sst s2  }
0x8f: {  	_ = 	snop  }
0x90: {  	s2 =	sld [smem:$0x3FC8]  }
0x91: {  	s18 =	sld [smem:$0x3FD0];
	(tm) =	ssettm $0x1  }
0x92: {  	s4 =	sld [smem:$0x3FFB];
	_ =	sdelay $0x3  }
0x93: {  	_ =	strace s4  }
0x94: {  	s4 =	sld [smem:$0x3FFC];
	_ =	sdelay $0x3  }
0x95: {  	_ =	strace s4  }
0x96: {  	s4 =	sld [smem:$0x3FFD];
	_ =	sdelay $0x3  }
0x97: {  	_ =	strace s4  }
0x98: {  	_ =	strace $0x8FFFFFFF  }
0x99: {  	s19 =	sld [smem:$0x3FDB];
	_ =	sdelay $0x1  }
0x9a: {  	s5 =	simm.s32 $_scs_section_size  }
0x9b: {  	s6 =	simm.s32 $_size__tile_overlayer_lowered;
	s7 =	simm.s32 $_tile_overlayer_lowered  }
0x9c: {  	s22 =	simm.s32 $0x1BFF;
	s21 =	sshll.u32 s7, $0x1;
	s4 =	sadd.s32 s5, s19  }
0x9d: {  	s8 =	simm.s32 $0x0;
	s20 =	sshll.u32 s6, $0x1;
	s6 =	sadd.s32 s21, s4  }
0x9e: {  	[timem:s8], [sflag:s22] =	dma.local [hbm:s6], s20  }
0x9f: {  	_ =	swait.ge [sflag:s22], s20  }
0xa0: {  	s5 =	ssub.s32 $0x0, s20;
	[sflag:s22] =	ssyncset.done $0x0  }
0xa1: {  	[sflag:s22] =	ssyncadd.s32 s5;
	_ =	sdelay $0x1  }
0xa2: {  	s23 =	simm.s32 $0x1B8B  }
0xa3: {  	_ =	swait.ge [sflag:s23], $0x1  }
0xa4: {  	[sflag:s23] =	ssyncset.done $0x0  }
0xa5: {  	s25 =	simm.s32 $0x1B8E;
	s24 =	sld [smem:$0x3FFE];
	[sflag:s23] =	ssyncadd.s32 $0xFFFFFFFF  }
0xa6: {  	s26 =	simm.s32 $execute0_lowered;
	[smem:$0x3FD2] =	sst s25  }
0xa7: {  	s6 =	sshll.u32 s26, $0x1;
	_ =	strace $0x80000046;
	[dreg:$0x1] =	wrdreg $0xFFFFFFFF  }
0xa8: {  	s28 =	simm.s32 $_size_execute0_lowered;
	s4 =	sadd.s32 s4, s6;
	[dreg:$0x0] =	wrdreg $0x0  }
0xa9: {  	s6 =	sshll.u32 s28, $0x1;
	[dreg:$0x2] =	wrdreg s4  }
0xaa: {  	[dreg:$0x3] =	wrdreg s6  }
0xab: {  	[dreg:$0x4] =	wrdreg $0xC0  }
0xac: {  	_ =	task [dreg:s8], $0x5FFFF  }
0xad: {  	[dreg:$0x1] =	wrdreg $0xFFFFFFFF  }
0xae: {  	[dreg:$0x0] =	wrdreg $0x60  }
0xaf: {  	[dreg:$0x2] =	wrdreg s18  }
0xb0: {  	[dreg:$0x3] =	wrdreg s2  }
0xb1: {  	[dreg:$0x4] =	wrdreg s24  }
0xb2: {  	[dreg:$0x5] =	wrdreg $0x9  }
0xb3: {  	_ =	task.clear_ibuf [dreg:s8], $0x6FFFF;
	_ =	strace $0x90000046  }
0xb4: {  	s29 =	simm.s32 $0x9;
	_ =	strace $0x80000048  }
0xb5: {  	_ =	swait.ge [sflag:s29], $0x1  }
0xb6: {  	[sflag:s29] =	ssyncadd.s32 $0xFFFFFFFF  }
0xb7: {  	_ =	strace $0x90000048  }
0xb8: {  	_ =	sfence  }
0xb9: {  	s30 =	sld [smem:$0x0];
	_ =	sdelay $0x2  }
0xba: {  	s31 =	sshll.u32 s1, $0xD;
	s1 =	sshrl.u32 s1, $0x2  }
0xbb: {  	s3 =	sand.u32 $0x4000, s31;
	s1 =	sadd.s32 s1, s30  }
0xbc: {  	s0 =	sor.u32 s3, s0;
	s1 =	sshll.u32 s1, $0x11  }
0xbd: {  	s0 =	sor.u32 s1, s0  }
0xbe: {  	s0 =	sadd.s32 $0x8F2B, s0  }
0xbf: {  	[sflag:s0] =	ssyncadd.remote.s32 $0x1  }
0xc0: {  	_ =	sfence.sel $0xFFFF  }
0xc1: {  	[dreg:$0x0] =	wrdreg $0xFFFFFFFF;
	(pc) =	sbr.abs _section_cstart, $3  }
0xc2: {  	[dreg:$0x1] =	wrdreg $0xFFFFFFFF  }
0xc3: {  	_ =	task.clear_ibuf [dreg:s8], $0x2FFFF;
	_ =	strace $0x9FFFFFFF  }
0xc4: {  	(tm) =	ssettm $0x7FFFFFFF  }
0xc5: {  	_ =	shalt  }
tec
execute0_lowered:
.L_overlay_start_1:
0x0: {  	(tag) =	ssettag $0x1  }
0x1: {  	s1 =	rddreg [dreg:$0x0]  }
0x2: {  	s4 =	rddreg [dreg:$0x1]  }
0x3: {  	s5 =	rddreg [dreg:$0x2]  }
0x4: {  	s0 =	rddreg [dreg:$0x3]  }
0x5: {  	s3 =	simm.s32 $0x0;
	s6 =	srdreg.scid;
	s2 =	stileid.u32  }
0x6: {  	s10 =	simm.s32 $0x1800;
	s11 =	simm.s32 $0x2000;
	s12 =	simm.s32 $0x2800  }
0x7: {  	s13 =	simm.s32 $0x3000;
	s14 =	simm.s32 $0x3800;
	s15 =	simm.s32 $0x4000  }
0x8: {  	s16 =	simm.s32 $0x4800;
	s17 =	simm.s32 $0x1;
	s18 =	simm.s32 $0x5000  }
0x9: {  	s19 =	simm.s32 $0x0;
	[smem:$0x7FF] =	sst s3;
	s6 =	sand.u32 $0x1, s6  }
0xa: {  	v0 =	vlaneseq.u32;
	s7 =	sshll.u32 s2, $0xE;
	s8 =	sshll.u32 s2, $0xA;
	_ =	strace $0x80000047  }
0xb: {  	v0 =	vmul.u32 $0x1000, v0;
	s9 =	sshll.u32 s6, $0x9;
	s7 =	sand.u32 $0x38000, s7;
	s6 =	ssub.s32 $0x2, s6  }
0xc: {  	v1 =	vimm.s32 $0x0;
	vm0 =	vcmask $0x300;
	s8 =	sor.u32 s9, s8;
	s5 =	sadd.s32 s7, s5;
	s31 =	sshrl.u32 s6, $0x1  }
0xd: {  	v1 =	vsel vm0, $0x3, v1;
	s7 =	simm.s32 $0x2;
	v2 =	vor.u32 $0x1, v0;
	s9 =	sand.u32 $0x600, s8;
	s6 =	ssub.s32 s6, s31  }
0xe: {  	v3 =	vor.u32 $0x2, v0;
	v4 =	vor.u32 $0x3, v0;
	v5 =	vor.u32 $0x4, v0;
	s4 =	sadd.s32 s4, s8;
	s8 =	simm.s32 $0x80;
	s5 =	sadd.s32 s9, s5  }
0xf: {  	v6 =	vor.u32 $0x5, v0;
	v7 =	vor.u32 $0x6, v0;
	v8 =	vor.u32 $0x7, v0;
	s6 =	smax.u32 s6, $0x1;
	s9 =	simm.s32 $0x1000;
	s5 =	sadd.s32 $0x1E00, s5  }
.LBB2_1:
0x10: {  	[tilespmem:s3], [sflag:$0x2] =	stream.linear.gather [hbm4b:s4+s3], $0x1000, $0x38;
	[tilespmem:$0x15000] =	vst v63  }
0x11: {  	_ =	swait.ge [sflag:s7], $0x1000  }
0x12: {  	[sflag:s7] =	ssyncset.done $0x0  }
0x13: {  	s20 =	simm.s32 $0x0;
	s21 =	simm.s32 $0x0;
	[sflag:s7] =	ssyncadd.s32 $0xFFFFF000  }
.LBB2_2:
0x14: {  	s22 =	sshll.u32 s21, $0xA  }
0x15: {  	s22 =	sand.u32 $0x3FFFFC00, s22  }
0x16: {  	[tilespmem:s9], [sflag:$0x1] =	stream.indirect.gather [hbm4b:s1+s8], $0x10, s22, s8, $0xb8;
	[tilespmem:$0x15000] =	vst v63  }
0x17: {  	s23 =	sor.u32 $0x80, s22  }
0x18: {  	[tilespmem:s10], [sflag:$0x1] =	stream.indirect.gather [hbm4b:s1+s8], $0x10, s23, s8, $0xb8;
	[tilespmem:$0x15000] =	vst v63  }
0x19: {  	s28 =	sor.u32 $0x100, s22  }
0x1a: {  	[tilespmem:s11], [sflag:$0x1] =	stream.indirect.gather [hbm4b:s1+s8], $0x10, s28, s8, $0xb8;
	[tilespmem:$0x15000] =	vst v63  }
0x1b: {  	s29 =	sor.u32 $0x180, s22  }
0x1c: {  	[tilespmem:s12], [sflag:$0x1] =	stream.indirect.gather [hbm4b:s1+s8], $0x10, s29, s8, $0xb8;
	[tilespmem:$0x15000] =	vst v63  }
0x1d: {  	s30 =	sor.u32 $0x200, s22  }
0x1e: {  	[tilespmem:s13], [sflag:$0x1] =	stream.indirect.gather [hbm4b:s1+s8], $0x10, s30, s8, $0xb8;
	[tilespmem:$0x15000] =	vst v63  }
0x1f: {  	s31 =	sor.u32 $0x280, s22  }
0x20: {  	[tilespmem:s14], [sflag:$0x1] =	stream.indirect.gather [hbm4b:s1+s8], $0x10, s31, s8, $0xb8;
	[tilespmem:$0x15000] =	vst v63  }
0x21: {  	s24 =	sor.u32 $0x300, s22  }
0x22: {  	[tilespmem:s15], [sflag:$0x1] =	stream.indirect.gather [hbm4b:s1+s8], $0x10, s24, s8, $0xb8;
	[tilespmem:$0x15000] =	vst v63  }
0x23: {  	s22 =	sor.u32 $0x380, s22  }
0x24: {  	[tilespmem:s16], [sflag:$0x1] =	stream.indirect.gather [hbm4b:s1+s8], $0x10, s22, s8, $0xb8;
	[tilespmem:$0x15000] =	vst v63  }
0x25: {  	_ =	swait.ge [sflag:s17], $0x800  }
0x26: {  	[sflag:s17] =	ssyncset.done $0x0  }
0x27: {  	[sflag:s17] =	ssyncadd.s32 $0xFFFFF800  }
0x28: {  	_ =	swait.ge [sflag:s17], $0x800  }
0x29: {  	[sflag:s17] =	ssyncset.done $0x0  }
0x2a: {  	[sflag:s17] =	ssyncadd.s32 $0xFFFFF800  }
0x2b: {  	_ =	swait.ge [sflag:s17], $0x800  }
0x2c: {  	[sflag:s17] =	ssyncset.done $0x0  }
0x2d: {  	[sflag:s17] =	ssyncadd.s32 $0xFFFFF800  }
0x2e: {  	_ =	swait.ge [sflag:s17], $0x800  }
0x2f: {  	[sflag:s17] =	ssyncset.done $0x0  }
0x30: {  	[sflag:s17] =	ssyncadd.s32 $0xFFFFF800  }
0x31: {  	_ =	swait.ge [sflag:s17], $0x800  }
0x32: {  	[sflag:s17] =	ssyncset.done $0x0  }
0x33: {  	[sflag:s17] =	ssyncadd.s32 $0xFFFFF800  }
0x34: {  	_ =	swait.ge [sflag:s17], $0x800  }
0x35: {  	[sflag:s17] =	ssyncset.done $0x0  }
0x36: {  	[sflag:s17] =	ssyncadd.s32 $0xFFFFF800  }
0x37: {  	s25 =	sadd.s32 $0x0, s20;
	_ =	swait.ge [sflag:s17], $0x800  }
0x38: {  	v9 =	vmov s25;
	[sflag:s17] =	ssyncset.done $0x0  }
0x39: {  	v9 =	vshrl.u32 v9, $0x3;
	[sflag:s17] =	ssyncadd.s32 $0xFFFFF800  }
0x3a: {  	v9 =	vshll.u32 v9, v1;
	_ =	swait.ge [sflag:s17], $0x800  }
0x3b: {  	v9 =	vbroadcast v9, $0x0;
	[sflag:s17] =	ssyncset.done $0x0  }
0x3c: {  	s22 =	simm.s32 $0x1040;
	[sflag:s17] =	ssyncadd.s32 $0xFFFFF800  }
0x3d: {  	v9 =	vadd.s32 v0, v9;
	s24 =	sadd.s32 $0x1, s25;
	v10 =	vld [tilespmem:s22+$0xFFFFFFC0]  }
0x3e: {  	v11 =	vmov s24  }
0x3f: {  	v11 =	vshrl.u32 v11, $0x3  }
0x40: {  	v11 =	vshll.u32 v11, v1  }
0x41: {  	v11 =	vbroadcast v11, $0x0  }
0x42: {  	[tilespmem:v9+s18+$0x0] =	vst.idx.msk $0xffff, v10  }
0x43: {  	s26 =	sadd.s32 $0x2, s25;
	v10 =	vadd.s32 v2, v11;
	v9 =	vld [tilespmem:s22+$0xFFFFFFD0]  }
0x44: {  	v11 =	vmov s26  }
0x45: {  	v11 =	vshrl.u32 v11, $0x3  }
0x46: {  	v11 =	vshll.u32 v11, v1  }
0x47: {  	v11 =	vbroadcast v11, $0x0  }
0x48: {  	[tilespmem:v10+s18+$0x0] =	vst.idx.msk $0xffff, v9  }
0x49: {  	s28 =	sadd.s32 $0x3, s25;
	v10 =	vadd.s32 v3, v11;
	v9 =	vld [tilespmem:s22+$0xFFFFFFE0]  }
0x4a: {  	v11 =	vmov s28  }
0x4b: {  	v11 =	vshrl.u32 v11, $0x3  }
0x4c: {  	v11 =	vshll.u32 v11, v1  }
0x4d: {  	v11 =	vbroadcast v11, $0x0  }
0x4e: {  	[tilespmem:v10+s18+$0x0] =	vst.idx.msk $0xffff, v9  }
0x4f: {  	s29 =	sadd.s32 $0x4, s25;
	v10 =	vadd.s32 v4, v11;
	v9 =	vld [tilespmem:s22+$0xFFFFFFF0]  }
0x50: {  	v11 =	vmov s29  }
0x51: {  	v11 =	vshrl.u32 v11, $0x3  }
0x52: {  	v11 =	vshll.u32 v11, v1  }
0x53: {  	v11 =	vbroadcast v11, $0x0  }
0x54: {  	[tilespmem:v10+s18+$0x0] =	vst.idx.msk $0xffff, v9  }
0x55: {  	s30 =	sadd.s32 $0x5, s25;
	v10 =	vadd.s32 v5, v11;
	v9 =	vld [tilespmem:s22+$0x0]  }
0x56: {  	v11 =	vmov s30  }
0x57: {  	v11 =	vshrl.u32 v11, $0x3  }
0x58: {  	v11 =	vshll.u32 v11, v1  }
0x59: {  	v11 =	vbroadcast v11, $0x0  }
0x5a: {  	[tilespmem:v10+s18+$0x0] =	vst.idx.msk $0xffff, v9  }
0x5b: {  	s31 =	sadd.s32 $0x6, s25;
	v10 =	vadd.s32 v6, v11;
	v9 =	vld [tilespmem:s22+$0x10]  }
0x5c: {  	v11 =	vmov s31  }
0x5d: {  	v11 =	vshrl.u32 v11, $0x3  }
0x5e: {  	v11 =	vshll.u32 v11, v1  }
0x5f: {  	v11 =	vbroadcast v11, $0x0  }
0x60: {  	[tilespmem:v10+s18+$0x0] =	vst.idx.msk $0xffff, v9  }
0x61: {  	s23 =	sadd.s32 $0x7, s25;
	v10 =	vadd.s32 v7, v11;
	v9 =	vld [tilespmem:s22+$0x20]  }
0x62: {  	v11 =	vmov s23  }
0x63: {  	v11 =	vshrl.u32 v11, $0x3  }
0x64: {  	v11 =	vshll.u32 v11, v1  }
0x65: {  	v11 =	vbroadcast v11, $0x0  }
0x66: {  	[tilespmem:v10+s18+$0x0] =	vst.idx.msk $0xffff, v9  }
0x67: {  	s24 =	simm.s32 $0x10;
	s23 =	sadd.s32 $0x8, s20;
	v10 =	vadd.s32 v8, v11;
	v9 =	vld [tilespmem:s22+$0x30]  }
.LBB2_3:
0x68: {  	p0 =	sne.s32 s24, $0x3F8;
	v11 =	vmov s23  }
0x69: {  	v11 =	vshrl.u32 v11, $0x3  }
0x6a: {  	v11 =	vshll.u32 v11, v1  }
0x6b: {  	v11 =	vbroadcast v11, $0x0  }
0x6c: {  	s22 =	sadd.s32 $0x80, s22;
	[tilespmem:v10+s18+$0x0] =	vst.idx.msk $0xffff, v9  }
0x6d: {  	s25 =	sadd.s32 $0x1, s23;
	v9 =	vld [tilespmem:s22+$0xFFFFFFC0];
	v10 =	vadd.s32 v0, v11  }
0x6e: {  	v11 =	vmov s25  }
0x6f: {  	v11 =	vshrl.u32 v11, $0x3  }
0x70: {  	v11 =	vshll.u32 v11, v1  }
0x71: {  	v11 =	vbroadcast v11, $0x0  }
0x72: {  	[tilespmem:v10+s18+$0x0] =	vst.idx.msk $0xffff, v9  }
0x73: {  	s25 =	sadd.s32 $0x2, s23;
	v10 =	vadd.s32 v2, v11;
	v9 =	vld [tilespmem:s22+$0xFFFFFFD0]  }
0x74: {  	v11 =	vmov s25  }
0x75: {  	v11 =	vshrl.u32 v11, $0x3  }
0x76: {  	v11 =	vshll.u32 v11, v1  }
0x77: {  	v11 =	vbroadcast v11, $0x0  }
0x78: {  	[tilespmem:v10+s18+$0x0] =	vst.idx.msk $0xffff, v9  }
0x79: {  	s25 =	sadd.s32 $0x3, s23;
	v10 =	vadd.s32 v3, v11;
	v9 =	vld [tilespmem:s22+$0xFFFFFFE0]  }
0x7a: {  	v11 =	vmov s25  }
0x7b: {  	v11 =	vshrl.u32 v11, $0x3  }
0x7c: {  	v11 =	vshll.u32 v11, v1  }
0x7d: {  	v11 =	vbroadcast v11, $0x0  }
0x7e: {  	[tilespmem:v10+s18+$0x0] =	vst.idx.msk $0xffff, v9  }
0x7f: {  	s25 =	sadd.s32 $0x4, s23;
	v10 =	vadd.s32 v4, v11;
	v9 =	vld [tilespmem:s22+$0xFFFFFFF0]  }
0x80: {  	v11 =	vmov s25  }
0x81: {  	v11 =	vshrl.u32 v11, $0x3  }
0x82: {  	v11 =	vshll.u32 v11, v1  }
0x83: {  	v11 =	vbroadcast v11, $0x0  }
0x84: {  	[tilespmem:v10+s18+$0x0] =	vst.idx.msk $0xffff, v9  }
0x85: {  	s25 =	sadd.s32 $0x5, s23;
	v10 =	vadd.s32 v5, v11;
	v9 =	vld [tilespmem:s22+$0x0]  }
0x86: {  	v11 =	vmov s25  }
0x87: {  	v11 =	vshrl.u32 v11, $0x3  }
0x88: {  	v11 =	vshll.u32 v11, v1  }
0x89: {  	v11 =	vbroadcast v11, $0x0  }
0x8a: {  	[tilespmem:v10+s18+$0x0] =	vst.idx.msk $0xffff, v9  }
0x8b: {  	s25 =	sadd.s32 $0x6, s23;
	v10 =	vadd.s32 v6, v11;
	v9 =	vld [tilespmem:s22+$0x10]  }
0x8c: {  	v11 =	vmov s25  }
0x8d: {  	v11 =	vshrl.u32 v11, $0x3  }
0x8e: {  	v11 =	vshll.u32 v11, v1  }
0x8f: {  	v11 =	vbroadcast v11, $0x0  }
0x90: {  	[tilespmem:v10+s18+$0x0] =	vst.idx.msk $0xffff, v9  }
0x91: {  	s23 =	sadd.s32 $0x7, s23;
	v10 =	vadd.s32 v7, v11;
	v9 =	vld [tilespmem:s22+$0x20]  }
0x92: {  	v11 =	vmov s23  }
.Ltmp0:
0x93: {  	v11 =	vshrl.u32 v11, $0x3;
	(pc) =	sbr.rel @p0 .LBB2_3-.Ltmp0, $4  }
0x94: {  	v11 =	vshll.u32 v11, v1  }
0x95: {  	v11 =	vbroadcast v11, $0x0  }
0x96: {  	[tilespmem:v10+s18+$0x0] =	vst.idx.msk $0xffff, v9  }
0x97: {  	s23 =	sadd.s32 s24, s20;
	s24 =	sadd.s32 $0x8, s24;
	v10 =	vadd.s32 v8, v11;
	v9 =	vld [tilespmem:s22+$0x30]  }
0x98: {  	v11 =	vmov s23  }
0x99: {  	v11 =	vshrl.u32 v11, $0x3  }
0x9a: {  	v11 =	vshll.u32 v11, v1  }
0x9b: {  	v11 =	vbroadcast v11, $0x0  }
0x9c: {  	s22 =	sadd.s32 $0x80, s22;
	[tilespmem:v10+s18+$0x0] =	vst.idx.msk $0xffff, v9  }
0x9d: {  	s24 =	sadd.s32 $0x1, s23;
	v9 =	vld [tilespmem:s22+$0xFFFFFFC0];
	v10 =	vadd.s32 v0, v11  }
0x9e: {  	v11 =	vmov s24  }
0x9f: {  	v11 =	vshrl.u32 v11, $0x3  }
0xa0: {  	v11 =	vshll.u32 v11, v1  }
0xa1: {  	v11 =	vbroadcast v11, $0x0  }
0xa2: {  	[tilespmem:v10+s18+$0x0] =	vst.idx.msk $0xffff, v9  }
0xa3: {  	s25 =	sadd.s32 $0x2, s23;
	v10 =	vadd.s32 v2, v11;
	v9 =	vld [tilespmem:s22+$0xFFFFFFD0]  }
0xa4: {  	v11 =	vmov s25  }
0xa5: {  	v11 =	vshrl.u32 v11, $0x3  }
0xa6: {  	v11 =	vshll.u32 v11, v1  }
0xa7: {  	v11 =	vbroadcast v11, $0x0  }
0xa8: {  	[tilespmem:v10+s18+$0x0] =	vst.idx.msk $0xffff, v9  }
0xa9: {  	s26 =	sadd.s32 $0x3, s23;
	v10 =	vadd.s32 v3, v11;
	v9 =	vld [tilespmem:s22+$0xFFFFFFE0]  }
0xaa: {  	v11 =	vmov s26  }
0xab: {  	v11 =	vshrl.u32 v11, $0x3  }
0xac: {  	v11 =	vshll.u32 v11, v1  }
0xad: {  	v11 =	vbroadcast v11, $0x0  }
0xae: {  	[tilespmem:v10+s18+$0x0] =	vst.idx.msk $0xffff, v9  }
0xaf: {  	s28 =	sadd.s32 $0x4, s23;
	v10 =	vadd.s32 v4, v11;
	v9 =	vld [tilespmem:s22+$0xFFFFFFF0]  }
0xb0: {  	v11 =	vmov s28  }
0xb1: {  	v11 =	vshrl.u32 v11, $0x3  }
0xb2: {  	v11 =	vshll.u32 v11, v1  }
0xb3: {  	v11 =	vbroadcast v11, $0x0  }
0xb4: {  	[tilespmem:v10+s18+$0x0] =	vst.idx.msk $0xffff, v9  }
0xb5: {  	s29 =	sadd.s32 $0x5, s23;
	v10 =	vadd.s32 v5, v11;
	v9 =	vld [tilespmem:s22+$0x0]  }
0xb6: {  	v11 =	vmov s29  }
0xb7: {  	v11 =	vshrl.u32 v11, $0x3  }
0xb8: {  	v11 =	vshll.u32 v11, v1  }
0xb9: {  	v11 =	vbroadcast v11, $0x0  }
0xba: {  	[tilespmem:v10+s18+$0x0] =	vst.idx.msk $0xffff, v9  }
0xbb: {  	s30 =	sadd.s32 $0x6, s23;
	v10 =	vadd.s32 v6, v11;
	v9 =	vld [tilespmem:s22+$0x10]  }
0xbc: {  	v11 =	vmov s30  }
0xbd: {  	v11 =	vshrl.u32 v11, $0x3  }
0xbe: {  	v11 =	vshll.u32 v11, v1  }
0xbf: {  	v11 =	vbroadcast v11, $0x0  }
0xc0: {  	[tilespmem:v10+s18+$0x0] =	vst.idx.msk $0xffff, v9  }
0xc1: {  	s31 =	sadd.s32 $0x7, s23;
	v10 =	vadd.s32 v7, v11;
	v9 =	vld [tilespmem:s22+$0x20]  }
0xc2: {  	v11 =	vmov s31  }
0xc3: {  	v11 =	vshrl.u32 v11, $0x3  }
0xc4: {  	v11 =	vshll.u32 v11, v1  }
0xc5: {  	v11 =	vbroadcast v11, $0x0  }
0xc6: {  	s21 =	sadd.s32 $0x1, s21;
	[tilespmem:v10+s18+$0x0] =	vst.idx.msk $0xffff, v9  }
0xc7: {  	p0 =	sne.s32 s21, $0x4;
	v10 =	vadd.s32 v8, v11;
	v9 =	vld [tilespmem:s22+$0x30]  }
.Ltmp1:
0xc8: {  	_ = 	snop;
	(pc) =	sbr.rel @p0 .LBB2_2-.Ltmp1, $2  }
0xc9: {  	_ =	sdelay $0x2  }
0xca: {  	s20 =	sadd.s32 $0x400, s20;
	[tilespmem:v10+s18+$0x0] =	vst.idx.msk $0xffff, v9  }
0xcb: {  	s19 =	sadd.s32 $0x1, s19  }
0xcc: {  	p0 =	sne.s32 s19, s6  }
.Ltmp2:
0xcd: {  	_ = 	snop;
	(pc) =	sbr.rel @p0 .LBB2_1-.Ltmp2, $4  }
0xce: {  	[hbm4b:s5+s9] =	stream.strided.scatter [tilespmem:s18], [sflag:$0x2], $0x10000, s15, s9, $0x38;
	[tilespmem:$0x15000] =	vst v63  }
0xcf: {  	_ =	swait.ge [sflag:s7], $0x10000  }
0xd0: {  	[sflag:s7] =	ssyncset.done $0x0  }
0xd1: {  	[sflag:s7] =	ssyncadd.s32 $0xFFFF0000  }
0xd2: {  	_ =	sfence.sel $0x180000  }
0xd3: {  	[bflag:$0x0] =	sbarrier.arrive $0xFFFF  }
0xd4: {  	p0 =	sne.s32 s2, $0x0;
	_ =	strace $0x90000047  }
0xd5: {  	s0 =	sadd.s32 @!p0 $0x100000, s0;
	[bflag:$0x2] =	sbarrier.arrive $0xFFFF  }
0xd6: {  	[sflag:s0] =	ssyncadd.tile.s32 @!p0 $0x1;
	_ =	shalt  }
.Lfunc_end2:
_tile_overlayer_lowered:
.L_overlay_start_2:
0xd7: {  	(tag) =	ssettag $0x2  }
0xd8: {  	s0 =	rddreg [dreg:$0x0];
	s2 =	stileid.u32  }
0xd9: {  	s1 =	rddreg [dreg:$0x1];
	p0 =	sne.s32 s2, $0x0  }
0xda: {  	s3 =	rddreg [dreg:$0x2];
	[bflag:$0x3] =	sbarrier.arrive $0xFFFF;
	s2 =	simm.s32 @!p0 $0x1C02  }
0xdb: {  	[timem:s3], [sflag:s2] =	dma.local @!p0 [hbm:s0], s1  }
0xdc: {  	s0 =	simm.s32 @!p0 $0x2  }
0xdd: {  	_ =	swait.ge @!p0 [sflag:s0], s1  }
0xde: {  	s1 =	ssub.s32 @!p0 $0x0, s1;
	[sflag:s0] =	ssyncset.done @!p0 $0x0  }
0xdf: {  	[sflag:s0] =	ssyncadd.s32 @!p0 s1  }
0xe0: {  	[bflag:$0x3] =	sbarrier.arrive $0xFFFF  }
0xe1: {  	_ =	shalt  }

</sc_bundles>
